<compile_context>
chip_gen: v7x
topology: tpu7x:2x2x1
jax: 0.10.2.dev20260603
libtpu: 0.0.44.dev20260713+nightly
codegen_flags: <defaults>
</compile_context>

<pallas_src>
import functools

import jax
import jax.numpy as jnp
from jax.experimental import pallas as pl
from jax.experimental.pallas import tpu as pltpu

_B = 512
_THR = 0.5


def _iou_overlap(colb, x1j, y1j, x2j, y2j, aj):
    bb = (_B, _B)
    xx1 = jnp.maximum(jnp.broadcast_to(colb["x1"], bb), jnp.broadcast_to(x1j, bb))
    yy1 = jnp.maximum(jnp.broadcast_to(colb["y1"], bb), jnp.broadcast_to(y1j, bb))
    xx2 = jnp.minimum(jnp.broadcast_to(colb["x2"], bb), jnp.broadcast_to(x2j, bb))
    yy2 = jnp.minimum(jnp.broadcast_to(colb["y2"], bb), jnp.broadcast_to(y2j, bb))
    w = jnp.maximum(xx2 - xx1, 0.0)
    h = jnp.maximum(yy2 - yy1, 0.0)
    inter = w * h
    iou = inter / (jnp.broadcast_to(colb["a"], bb) + jnp.broadcast_to(aj, bb)
                   - inter + 1e-9)
    return jnp.where(iou > _THR, 1.0, 0.0)


def _nms_body(nb, jend_ref, colarr_ref, x1r_ref, y1r_ref, x2r_ref, y2r_ref,
              bT_ref, sT_ref, outT_ref, alive_ref):
    alive_ref[...] = jnp.ones((nb, _B), jnp.float32)
    upper = (jax.lax.broadcasted_iota(jnp.int32, (_B, _B), 0)
             < jax.lax.broadcasted_iota(jnp.int32, (_B, _B), 1))
    upper_f = jnp.where(upper, 1.0, 0.0)

    def row_block(bj):
        x1 = x1r_ref[pl.ds(bj, 1), :]
        y1 = y1r_ref[pl.ds(bj, 1), :]
        x2 = x2r_ref[pl.ds(bj, 1), :]
        y2 = y2r_ref[pl.ds(bj, 1), :]
        a = (x2 - x1) * (y2 - y1)
        return x1, y1, x2, y2, a

    def outer(bi, carry):
        base = bi * _B
        cols = colarr_ref[pl.ds(base, _B), :]
        cx1 = cols[:, 0:1]
        cy1 = cols[:, 1:2]
        cx2 = cols[:, 2:3]
        cy2 = cols[:, 3:4]
        colb = {"x1": cx1, "y1": cy1, "x2": cx2, "y2": cy2,
                "a": (cx2 - cx1) * (cy2 - cy1)}

        x1i, y1i, x2i, y2i, ai = row_block(bi)
        omat = _iou_overlap(colb, x1i, y1i, x2i, y2i, ai) * upper_f

        alive_i = alive_ref[pl.ds(bi, 1), :]

        def fp_cond(c):
            return c[1]

        def fp_body(c):
            k, _ = c
            sup = jax.lax.dot_general(
                k, omat, (((1,), (0,)), ((), ())),
                preferred_element_type=jnp.float32)
            knew = jnp.where(sup > 0.0, 0.0, alive_i)
            return knew, jnp.any(knew != k)

        keep, _ = jax.lax.while_loop(fp_cond, fp_body,
                                     (alive_i, jnp.asarray(True)))

        sl = pl.ds(base, _B)
        out5 = jnp.concatenate(
            [bT_ref[:, sl] * keep, sT_ref[:, sl] * keep], axis=0)
        outT_ref[:, sl] = out5

        def inner(bj, c2):
            x1j, y1j, x2j, y2j, aj = row_block(bj)
            ocross = _iou_overlap(colb, x1j, y1j, x2j, y2j, aj)
            sup = jax.lax.dot_general(
                keep, ocross, (((1,), (0,)), ((), ())),
                preferred_element_type=jnp.float32)
            row = alive_ref[pl.ds(bj, 1), :]
            alive_ref[pl.ds(bj, 1), :] = jnp.where(sup > 0.0, 0.0, row)
            return c2

        jax.lax.fori_loop(bi + 1, jend_ref[bi], inner, 0)
        return carry

    jax.lax.fori_loop(0, nb, outer, 0)


@functools.partial(jax.jit, static_argnums=())
def kernel(boxes, scores, idxs):
    n = boxes.shape[0]
    npad = ((n + _B - 1) // _B) * _B
    nb = npad // _B

    max_coordinate = jnp.max(boxes) + 1.0
    offsets = idxs.astype(boxes.dtype) * max_coordinate
    boxes_nms = boxes + offsets[:, None]

    order = jnp.argsort(-scores)
    bn = boxes_nms[order]
    bs = boxes[order]
    ss = scores[order]

    pad = npad - n
    bn_p = jnp.concatenate(
        [bn, jnp.full((pad, 4), -1e6, jnp.float32)], axis=0)
    bs_p = jnp.concatenate([bs, jnp.zeros((pad, 4), jnp.float32)], axis=0)
    ss_p = jnp.concatenate([ss, jnp.zeros((pad,), jnp.float32)], axis=0)

    x1r = bn_p[:, 0].reshape(nb, _B)
    y1r = bn_p[:, 1].reshape(nb, _B)
    x2r = bn_p[:, 2].reshape(nb, _B)
    y2r = bn_p[:, 3].reshape(nb, _B)
    bT = bs_p.T
    sT = ss_p.reshape(1, npad)
    jend = jnp.full((nb,), nb, jnp.int32)

    outT = pl.pallas_call(
        functools.partial(_nms_body, nb),
        out_shape=jax.ShapeDtypeStruct((5, npad), jnp.float32),
        in_specs=[
            pl.BlockSpec(memory_space=pltpu.SMEM),
            pl.BlockSpec(memory_space=pltpu.VMEM),
            pl.BlockSpec(memory_space=pltpu.VMEM),
            pl.BlockSpec(memory_space=pltpu.VMEM),
            pl.BlockSpec(memory_space=pltpu.VMEM),
            pl.BlockSpec(memory_space=pltpu.VMEM),
            pl.BlockSpec(memory_space=pltpu.VMEM),
            pl.BlockSpec(memory_space=pltpu.VMEM),
        ],
        out_specs=pl.BlockSpec(memory_space=pltpu.VMEM),
        scratch_shapes=[pltpu.VMEM((nb, _B), jnp.float32)],
    )(jend, bn_p, x1r, y1r, x2r, y2r, bT, sT)

    return outT[:, :n].T

# --- scband reference (transcript-rebuilt; emitter-appended) ---
"""Pipeline reference for scband-evaluator-43344809951650 (READ-ONLY COPY).

The authoritative reference and input builder live on the scoring server;
editing this copy changes nothing except your own understanding.
"""

import jax, jax.numpy as jnp
import numpy as np

N = 20000
NUM_CLASSES = 80
IOU_THRESHOLD = 0.5


def setup_inputs(seed: int = 0) -> dict:
    key = jax.random.key(seed)
    k1, k2, k3, k4 = jax.random.split(key, 4)
    # Valid (x1, y1, x2, y2) boxes in [0, 1] image coordinates with 0 <= x1 < x2.
    xy = jax.random.uniform(k1, (N, 2), dtype=jnp.float32) * 0.9
    wh = jax.random.uniform(k2, (N, 2), dtype=jnp.float32) * 0.1 + 1e-3
    boxes = jnp.concatenate([xy, xy + wh], axis=1)
    scores = jax.random.uniform(k3, (N,), dtype=jnp.float32)
    idxs = jax.random.randint(k4, (N,), 0, NUM_CLASSES)
    return {"boxes": boxes, "scores": scores, "idxs": idxs}


def _nms_keep_mask(boxes_sorted, iou_threshold):
    """Greedy NMS over score-sorted boxes; returns boolean keep mask (sorted order)."""
    n = boxes_sorted.shape[0]
    x1 = boxes_sorted[:, 0]
    y1 = boxes_sorted[:, 1]
    x2 = boxes_sorted[:, 2]
    y2 = boxes_sorted[:, 3]
    areas = (x2 - x1) * (y2 - y1)
    rng = jnp.arange(n)

    def body(i, suppressed):
        xx1 = jnp.maximum(x1[i], x1)
        yy1 = jnp.maximum(y1[i], y1)
        xx2 = jnp.minimum(x2[i], x2)
        yy2 = jnp.minimum(y2[i], y2)
        w = jnp.clip(xx2 - xx1, 0.0, None)
        h = jnp.clip(yy2 - yy1, 0.0, None)
        inter = w * h
        iou = inter / (areas[i] + areas - inter + 1e-9)
        new_sup = (iou > iou_threshold) & (rng > i) & jnp.logical_not(suppressed[i])
        return suppressed | new_sup

    suppressed = jax.lax.fori_loop(0, n, body, jnp.zeros((n,), dtype=bool))
    return jnp.logical_not(suppressed)


def reference(boxes, scores, idxs):
    # batched (class-aware) NMS via per-class coordinate offsets, as in torchvision's
    # batched_nms used by Evaluator.postprocess_batched_nms with iou_threshold=0.5.
    max_coordinate = jnp.max(boxes) + 1.0
    offsets = idxs.astype(boxes.dtype) * max_coordinate
    boxes_for_nms = boxes + offsets[:, None]

    order = jnp.argsort(-scores)
    boxes_nms_sorted = boxes_for_nms[order]
    keep = _nms_keep_mask(boxes_nms_sorted, IOU_THRESHOLD)

    boxes_sorted = boxes[order]
    scores_sorted = scores[order]
    m = keep.astype(boxes.dtype)
    # Fixed-shape output: kept detections as (x1, y1, x2, y2, score), suppressed rows zeroed.
    out = jnp.concatenate([boxes_sorted * m[:, None], (scores_sorted * m)[:, None]], axis=1)
    return out

if __name__ == "__main__":
    import jax
    _d = setup_inputs()
    print(jax.jit(kernel)(*tuple(_d.values())))

</pallas_src>

<mosaic_0001>
module attributes {stable_mosaic.version = 14 : i64} {
  func.func @_nms_body(%arg0: memref<40xi32, #tpu.memory_space<smem>>, %arg1: memref<20480x4xf32, #tpu.memory_space<vmem>>, %arg2: memref<40x512xf32, #tpu.memory_space<vmem>>, %arg3: memref<40x512xf32, #tpu.memory_space<vmem>>, %arg4: memref<40x512xf32, #tpu.memory_space<vmem>>, %arg5: memref<40x512xf32, #tpu.memory_space<vmem>>, %arg6: memref<4x20480xf32, #tpu.memory_space<vmem>>, %arg7: memref<1x20480xf32, #tpu.memory_space<vmem>>, %arg8: memref<5x20480xf32, #tpu.memory_space<vmem>>, %arg9: memref<40x512xf32, #tpu.memory_space<vmem>>) attributes {dimension_semantics = [], scalar_prefetch = 0 : i64, scratch_operands = 1 : i64, tpu.core_type = #tpu.core_type<tc>} {
    %broadcast_in_dim3A = arith.constant 1.000000e+00 : f32
    %broadcast_in_dim3A_0 = vector.broadcast %broadcast_in_dim3A : f32 to vector<40x512xf32>
    %swap3A = arith.constant 0 : index
    %swap3A_1 = arith.constant 0 : index
    %swap3A_2 = vector.load %arg9[%swap3A, %swap3A_1] : memref<40x512xf32, #tpu.memory_space<vmem>>, vector<40x512xf32>
    tpu.vector_store %arg9[%swap3A, %swap3A_1], %broadcast_in_dim3A_0 {strides = array<i32>} : memref<40x512xf32, #tpu.memory_space<vmem>>, vector<40x512xf32>,
    %iota3A = tpu.iota {dimensions = array<i32: 0>} : vector<512x512xi32>
    %iota3A_3 = tpu.iota {dimensions = array<i32: 1>} : vector<512x512xi32>
    %lt3A = arith.cmpi slt, %iota3A, %iota3A_3 : vector<512x512xi32>
    %jit3A = arith.constant 1.000000e+00 : f32
    %jit3A_4 = arith.constant 0.000000e+00 : f32
    %broadcast_in_dim3A_5 = vector.broadcast %jit3A : f32 to vector<512x512xf32>
    %broadcast_in_dim3A_6 = vector.broadcast %jit3A_4 : f32 to vector<512x512xf32>
    %select_n3A = arith.select %lt3A, %broadcast_in_dim3A_5, %broadcast_in_dim3A_6 : vector<512x512xi1>, vector<512x512xf32>
    %scan3A = arith.constant 0 : i32
    %scan3A_7 = arith.constant 40 : i32
    %scan3A_8 = arith.addi %scan3A, %scan3A_7 : i32
    %scan3A_9 = arith.constant 1 : i32
    scf.for %scan3A_11 = %scan3A to %scan3A_8 step %scan3A_9  : i32 {
      %mul3A = arith.constant 512 : i32
      %mul3A_12 = arith.muli %scan3A_11, %mul3A : i32
      %get3A = arith.index_cast %mul3A_12 : i32 to index
      %get3A_13 = arith.constant 0 : index
      %get3A_14 = vector.load %arg1[%get3A, %get3A_13] : memref<20480x4xf32, #tpu.memory_space<vmem>>, vector<512x4xf32>
      %slice3A = vector.extract_strided_slice %get3A_14 {offsets = [0, 0], sizes = [512, 1], strides = [1, 1]} : vector<512x4xf32> to vector<512x1xf32>
      %slice3A_15 = vector.extract_strided_slice %get3A_14 {offsets = [0, 1], sizes = [512, 1], strides = [1, 1]} : vector<512x4xf32> to vector<512x1xf32>
      %slice3A_16 = vector.extract_strided_slice %get3A_14 {offsets = [0, 2], sizes = [512, 1], strides = [1, 1]} : vector<512x4xf32> to vector<512x1xf32>
      %slice3A_17 = vector.extract_strided_slice %get3A_14 {offsets = [0, 3], sizes = [512, 1], strides = [1, 1]} : vector<512x4xf32> to vector<512x1xf32>
      %sub3A = arith.subf %slice3A_16, %slice3A : vector<512x1xf32>
      %sub3A_18 = arith.subf %slice3A_17, %slice3A_15 : vector<512x1xf32>
      %mul3A_19 = arith.mulf %sub3A, %sub3A_18 : vector<512x1xf32>
      %get3A_20 = arith.index_cast %scan3A_11 : i32 to index
      %get3A_21 = arith.constant 0 : index
      %get3A_22 = vector.load %arg2[%get3A_20, %get3A_21] : memref<40x512xf32, #tpu.memory_space<vmem>>, vector<1x512xf32>
      %get3A_23 = arith.index_cast %scan3A_11 : i32 to index
      %get3A_24 = arith.constant 0 : index
      %get3A_25 = vector.load %arg3[%get3A_23, %get3A_24] : memref<40x512xf32, #tpu.memory_space<vmem>>, vector<1x512xf32>
      %get3A_26 = arith.index_cast %scan3A_11 : i32 to index
      %get3A_27 = arith.constant 0 : index
      %get3A_28 = vector.load %arg4[%get3A_26, %get3A_27] : memref<40x512xf32, #tpu.memory_space<vmem>>, vector<1x512xf32>
      %get3A_29 = arith.index_cast %scan3A_11 : i32 to index
      %get3A_30 = arith.constant 0 : index
      %get3A_31 = vector.load %arg5[%get3A_29, %get3A_30] : memref<40x512xf32, #tpu.memory_space<vmem>>, vector<1x512xf32>
      %sub3A_32 = arith.subf %get3A_28, %get3A_22 : vector<1x512xf32>
      %sub3A_33 = arith.subf %get3A_31, %get3A_25 : vector<1x512xf32>
      %mul3A_34 = arith.mulf %sub3A_32, %sub3A_33 : vector<1x512xf32>
      %broadcast_in_dim3A_35 = vector.shape_cast %slice3A : vector<512x1xf32> to vector<512x1xf32>
      %broadcast_in_dim3A_36 = vector.broadcast %broadcast_in_dim3A_35 : vector<512x1xf32> to vector<512x512xf32>
      %broadcast_in_dim3A_37 = vector.shape_cast %get3A_22 : vector<1x512xf32> to vector<1x512xf32>
      %broadcast_in_dim3A_38 = vector.broadcast %broadcast_in_dim3A_37 : vector<1x512xf32> to vector<512x512xf32>
      %max3A = arith.maximumf %broadcast_in_dim3A_36, %broadcast_in_dim3A_38 : vector<512x512xf32>
      %broadcast_in_dim3A_39 = vector.shape_cast %slice3A_15 : vector<512x1xf32> to vector<512x1xf32>
      %broadcast_in_dim3A_40 = vector.broadcast %broadcast_in_dim3A_39 : vector<512x1xf32> to vector<512x512xf32>
      %broadcast_in_dim3A_41 = vector.shape_cast %get3A_25 : vector<1x512xf32> to vector<1x512xf32>
      %broadcast_in_dim3A_42 = vector.broadcast %broadcast_in_dim3A_41 : vector<1x512xf32> to vector<512x512xf32>
      %max3A_43 = arith.maximumf %broadcast_in_dim3A_40, %broadcast_in_dim3A_42 : vector<512x512xf32>
      %broadcast_in_dim3A_44 = vector.shape_cast %slice3A_16 : vector<512x1xf32> to vector<512x1xf32>
      %broadcast_in_dim3A_45 = vector.broadcast %broadcast_in_dim3A_44 : vector<512x1xf32> to vector<512x512xf32>
      %broadcast_in_dim3A_46 = vector.shape_cast %get3A_28 : vector<1x512xf32> to vector<1x512xf32>
      %broadcast_in_dim3A_47 = vector.broadcast %broadcast_in_dim3A_46 : vector<1x512xf32> to vector<512x512xf32>
      %min3A = arith.minimumf %broadcast_in_dim3A_45, %broadcast_in_dim3A_47 : vector<512x512xf32>
      %broadcast_in_dim3A_48 = vector.shape_cast %slice3A_17 : vector<512x1xf32> to vector<512x1xf32>
      %broadcast_in_dim3A_49 = vector.broadcast %broadcast_in_dim3A_48 : vector<512x1xf32> to vector<512x512xf32>
      %broadcast_in_dim3A_50 = vector.shape_cast %get3A_31 : vector<1x512xf32> to vector<1x512xf32>
      %broadcast_in_dim3A_51 = vector.broadcast %broadcast_in_dim3A_50 : vector<1x512xf32> to vector<512x512xf32>
      %min3A_52 = arith.minimumf %broadcast_in_dim3A_49, %broadcast_in_dim3A_51 : vector<512x512xf32>
      %sub3A_53 = arith.subf %min3A, %max3A : vector<512x512xf32>
      %max3A_54 = arith.constant 0.000000e+00 : f32
      %max3A_55 = vector.broadcast %max3A_54 : f32 to vector<512x512xf32>
      %max3A_56 = arith.maximumf %sub3A_53, %max3A_55 : vector<512x512xf32>
      %sub3A_57 = arith.subf %min3A_52, %max3A_43 : vector<512x512xf32>
      %max3A_58 = arith.constant 0.000000e+00 : f32
      %max3A_59 = vector.broadcast %max3A_58 : f32 to vector<512x512xf32>
      %max3A_60 = arith.maximumf %sub3A_57, %max3A_59 : vector<512x512xf32>
      %mul3A_61 = arith.mulf %max3A_56, %max3A_60 : vector<512x512xf32>
      %broadcast_in_dim3A_62 = vector.shape_cast %mul3A_19 : vector<512x1xf32> to vector<512x1xf32>
      %broadcast_in_dim3A_63 = vector.broadcast %broadcast_in_dim3A_62 : vector<512x1xf32> to vector<512x512xf32>
      %broadcast_in_dim3A_64 = vector.shape_cast %mul3A_34 : vector<1x512xf32> to vector<1x512xf32>
      %broadcast_in_dim3A_65 = vector.broadcast %broadcast_in_dim3A_64 : vector<1x512xf32> to vector<512x512xf32>
      %add3A = arith.addf %broadcast_in_dim3A_63, %broadcast_in_dim3A_65 : vector<512x512xf32>
      %sub3A_66 = arith.subf %add3A, %mul3A_61 : vector<512x512xf32>
      %add3A_67 = arith.constant 9.99999971E-10 : f32
      %add3A_68 = vector.broadcast %add3A_67 : f32 to vector<512x512xf32>
      %add3A_69 = arith.addf %sub3A_66, %add3A_68 : vector<512x512xf32>
      %div3A = arith.divf %mul3A_61, %add3A_69 : vector<512x512xf32>
      %gt3A = arith.constant 5.000000e-01 : f32
      %gt3A_70 = vector.broadcast %gt3A : f32 to vector<512x512xf32>
      %gt3A_71 = arith.cmpf ogt, %div3A, %gt3A_70 : vector<512x512xf32>
      %jit3A_72 = arith.constant 1.000000e+00 : f32
      %jit3A_73 = arith.constant 0.000000e+00 : f32
      %broadcast_in_dim3A_74 = vector.broadcast %jit3A_72 : f32 to vector<512x512xf32>
      %broadcast_in_dim3A_75 = vector.broadcast %jit3A_73 : f32 to vector<512x512xf32>
      %select_n3A_76 = arith.select %gt3A_71, %broadcast_in_dim3A_74, %broadcast_in_dim3A_75 : vector<512x512xi1>, vector<512x512xf32>
      %mul3A_77 = arith.mulf %select_n3A_76, %select_n3A : vector<512x512xf32>
      %get3A_78 = arith.index_cast %scan3A_11 : i32 to index
      %get3A_79 = arith.constant 0 : index
      %get3A_80 = vector.load %arg9[%get3A_78, %get3A_79] : memref<40x512xf32, #tpu.memory_space<vmem>>, vector<1x512xf32>
      %while3A = arith.constant true
      %while3A_81:2 = scf.while (%while3A_107 = %get3A_80, %while3A_108 = %while3A) : (vector<1x512xf32>, i1) -> (vector<1x512xf32>, i1) {
        scf.condition(%while3A_108) %while3A_107, %while3A_108 : vector<1x512xf32>, i1
      } do {
      ^bb0(%while3A_107: vector<1x512xf32>, %while3A_108: i1):
        %dot_general3A = arith.constant dense<0.000000e+00> : vector<1x512xf32>
        %dot_general3A_109 = tpu.matmul %while3A_107, %mul3A_77, %dot_general3A {dimension_numbers = #tpu.dot_dimension_numbers<[1], [0], [0], [1], [0, 0, 1, 1], [], []>, transpose_lhs_hint = false} : vector<1x512xf32>, vector<512x512xf32>, vector<1x512xf32> -> vector<1x512xf32>
        %gt3A_110 = arith.constant 0.000000e+00 : f32
        %gt3A_111 = vector.broadcast %gt3A_110 : f32 to vector<1x512xf32>
        %gt3A_112 = arith.cmpf ogt, %dot_general3A_109, %gt3A_111 : vector<1x512xf32>
        %jit3A_113 = arith.constant 0.000000e+00 : f32
        %broadcast_in_dim3A_114 = vector.broadcast %jit3A_113 : f32 to vector<1x512xf32>
        %select_n3A_115 = arith.select %gt3A_112, %broadcast_in_dim3A_114, %get3A_80 : vector<1x512xi1>, vector<1x512xf32>
        %ne3A = arith.cmpf one, %select_n3A_115, %while3A_107 : vector<1x512xf32>
        %reduce_or3A = arith.constant 1.000000e+00 : f32
        %reduce_or3A_116 = arith.constant 0.000000e+00 : f32
        %reduce_or3A_117 = vector.broadcast %reduce_or3A : f32 to vector<1x512xf32>
        %reduce_or3A_118 = vector.broadcast %reduce_or3A_116 : f32 to vector<1x512xf32>
        %reduce_or3A_119 = arith.select %ne3A, %reduce_or3A_117, %reduce_or3A_118 : vector<1x512xi1>, vector<1x512xf32>
        %reduce_or3A_120 = vector.shape_cast %reduce_or3A_119 : vector<1x512xf32> to vector<1x1x512xf32>
        %reduce_or3A_121 = arith.constant dense<0xFF800000> : vector<1xf32>
        %reduce_or3A_122 = vector.multi_reduction <maximumf>, %reduce_or3A_120, %reduce_or3A_121 [1, 2] : vector<1x1x512xf32> to vector<1xf32>
        %reduce_or3A_123 = vector.shape_cast %reduce_or3A_122 : vector<1xf32> to vector<1x1x1xf32>
        %reduce_or3A_124 = vector.extract %reduce_or3A_123[0, 0, 0] : f32 from vector<1x1x1xf32>
        %reduce_or3A_125 = arith.constant 0.000000e+00 : f32
        %reduce_or3A_126 = arith.cmpf ogt, %reduce_or3A_124, %reduce_or3A_125 : f32
        scf.yield %select_n3A_115, %reduce_or3A_126 : vector<1x512xf32>, i1
      }
      %get3A_82 = arith.constant 0 : index
      %get3A_83 = arith.index_cast %mul3A_12 : i32 to index
      %get3A_84 = vector.load %arg6[%get3A_82, %get3A_83] : memref<4x20480xf32, #tpu.memory_space<vmem>>, vector<4x512xf32>
      %mul3A_85 = vector.broadcast %while3A_81#0 : vector<1x512xf32> to vector<4x512xf32>
      %mul3A_86 = arith.mulf %get3A_84, %mul3A_85 : vector<4x512xf32>
      %get3A_87 = arith.constant 0 : index
      %get3A_88 = arith.index_cast %mul3A_12 : i32 to index
      %get3A_89 = vector.load %arg7[%get3A_87, %get3A_88] : memref<1x20480xf32, #tpu.memory_space<vmem>>, vector<1x512xf32>
      %mul3A_90 = arith.mulf %get3A_89, %while3A_81#0 : vector<1x512xf32>
      %concatenate3A = tpu.concatenate %mul3A_86, %mul3A_90 in 0 : vector<4x512xf32>, vector<1x512xf32> -> vector<5x512xf32>
      %swap3A_91 = arith.constant 0 : index
      %swap3A_92 = arith.index_cast %mul3A_12 : i32 to index
      %swap3A_93 = vector.load %arg8[%swap3A_91, %swap3A_92] : memref<5x20480xf32, #tpu.memory_space<vmem>>, vector<5x512xf32>
      tpu.vector_store %arg8[%swap3A_91, %swap3A_92], %concatenate3A {strides = array<i32>} : memref<5x20480xf32, #tpu.memory_space<vmem>>, vector<5x512xf32>,
      %add3A_94 = arith.constant 1 : i32
      %add3A_95 = arith.addi %scan3A_11, %add3A_94 : i32
      %get3A_96 = arith.index_cast %scan3A_11 : i32 to index
      %get3A_97 = memref.load %arg0[%get3A_96] : memref<40xi32, #tpu.memory_space<smem>>
      %while3A_98 = arith.constant 0 : i32
      %while3A_99 = arith.subi %get3A_97, %add3A_95 : i32
      %while3A_100 = arith.addi %add3A_95, %while3A_99 : i32
      %while3A_101 = arith.constant 1 : i32
      %while3A_102 = arith.divsi %while3A_99, %while3A_101 : i32
      %while3A_103 = arith.muli %while3A_102, %while3A_101 : i32
      %while3A_104 = arith.addi %add3A_95, %while3A_103 : i32
      %while3A_105 = arith.constant 1 : i32
      scf.for %while3A_107 = %add3A_95 to %while3A_104 step %while3A_105  : i32 {
        %get3A_108 = arith.index_cast %while3A_107 : i32 to index
        %get3A_109 = arith.constant 0 : index
        %get3A_110 = vector.load %arg2[%get3A_108, %get3A_109] : memref<40x512xf32, #tpu.memory_space<vmem>>, vector<1x512xf32>
        %get3A_111 = arith.index_cast %while3A_107 : i32 to index
        %get3A_112 = arith.constant 0 : index
        %get3A_113 = vector.load %arg3[%get3A_111, %get3A_112] : memref<40x512xf32, #tpu.memory_space<vmem>>, vector<1x512xf32>
        %get3A_114 = arith.index_cast %while3A_107 : i32 to index
        %get3A_115 = arith.constant 0 : index
        %get3A_116 = vector.load %arg4[%get3A_114, %get3A_115] : memref<40x512xf32, #tpu.memory_space<vmem>>, vector<1x512xf32>
        %get3A_117 = arith.index_cast %while3A_107 : i32 to index
        %get3A_118 = arith.constant 0 : index
        %get3A_119 = vector.load %arg5[%get3A_117, %get3A_118] : memref<40x512xf32, #tpu.memory_space<vmem>>, vector<1x512xf32>
        %sub3A_120 = arith.subf %get3A_116, %get3A_110 : vector<1x512xf32>
        %sub3A_121 = arith.subf %get3A_119, %get3A_113 : vector<1x512xf32>
        %mul3A_122 = arith.mulf %sub3A_120, %sub3A_121 : vector<1x512xf32>
        %broadcast_in_dim3A_123 = vector.shape_cast %slice3A : vector<512x1xf32> to vector<512x1xf32>
        %broadcast_in_dim3A_124 = vector.broadcast %broadcast_in_dim3A_123 : vector<512x1xf32> to vector<512x512xf32>
        %broadcast_in_dim3A_125 = vector.shape_cast %get3A_110 : vector<1x512xf32> to vector<1x512xf32>
        %broadcast_in_dim3A_126 = vector.broadcast %broadcast_in_dim3A_125 : vector<1x512xf32> to vector<512x512xf32>
        %max3A_127 = arith.maximumf %broadcast_in_dim3A_124, %broadcast_in_dim3A_126 : vector<512x512xf32>
        %broadcast_in_dim3A_128 = vector.shape_cast %slice3A_15 : vector<512x1xf32> to vector<512x1xf32>
        %broadcast_in_dim3A_129 = vector.broadcast %broadcast_in_dim3A_128 : vector<512x1xf32> to vector<512x512xf32>
        %broadcast_in_dim3A_130 = vector.shape_cast %get3A_113 : vector<1x512xf32> to vector<1x512xf32>
        %broadcast_in_dim3A_131 = vector.broadcast %broadcast_in_dim3A_130 : vector<1x512xf32> to vector<512x512xf32>
        %max3A_132 = arith.maximumf %broadcast_in_dim3A_129, %broadcast_in_dim3A_131 : vector<512x512xf32>
        %broadcast_in_dim3A_133 = vector.shape_cast %slice3A_16 : vector<512x1xf32> to vector<512x1xf32>
        %broadcast_in_dim3A_134 = vector.broadcast %broadcast_in_dim3A_133 : vector<512x1xf32> to vector<512x512xf32>
        %broadcast_in_dim3A_135 = vector.shape_cast %get3A_116 : vector<1x512xf32> to vector<1x512xf32>
        %broadcast_in_dim3A_136 = vector.broadcast %broadcast_in_dim3A_135 : vector<1x512xf32> to vector<512x512xf32>
        %min3A_137 = arith.minimumf %broadcast_in_dim3A_134, %broadcast_in_dim3A_136 : vector<512x512xf32>
        %broadcast_in_dim3A_138 = vector.shape_cast %slice3A_17 : vector<512x1xf32> to vector<512x1xf32>
        %broadcast_in_dim3A_139 = vector.broadcast %broadcast_in_dim3A_138 : vector<512x1xf32> to vector<512x512xf32>
        %broadcast_in_dim3A_140 = vector.shape_cast %get3A_119 : vector<1x512xf32> to vector<1x512xf32>
        %broadcast_in_dim3A_141 = vector.broadcast %broadcast_in_dim3A_140 : vector<1x512xf32> to vector<512x512xf32>
        %min3A_142 = arith.minimumf %broadcast_in_dim3A_139, %broadcast_in_dim3A_141 : vector<512x512xf32>
        %sub3A_143 = arith.subf %min3A_137, %max3A_127 : vector<512x512xf32>
        %max3A_144 = arith.constant 0.000000e+00 : f32
        %max3A_145 = vector.broadcast %max3A_144 : f32 to vector<512x512xf32>
        %max3A_146 = arith.maximumf %sub3A_143, %max3A_145 : vector<512x512xf32>
        %sub3A_147 = arith.subf %min3A_142, %max3A_132 : vector<512x512xf32>
        %max3A_148 = arith.constant 0.000000e+00 : f32
        %max3A_149 = vector.broadcast %max3A_148 : f32 to vector<512x512xf32>
        %max3A_150 = arith.maximumf %sub3A_147, %max3A_149 : vector<512x512xf32>
        %mul3A_151 = arith.mulf %max3A_146, %max3A_150 : vector<512x512xf32>
        %broadcast_in_dim3A_152 = vector.shape_cast %mul3A_19 : vector<512x1xf32> to vector<512x1xf32>
        %broadcast_in_dim3A_153 = vector.broadcast %broadcast_in_dim3A_152 : vector<512x1xf32> to vector<512x512xf32>
        %broadcast_in_dim3A_154 = vector.shape_cast %mul3A_122 : vector<1x512xf32> to vector<1x512xf32>
        %broadcast_in_dim3A_155 = vector.broadcast %broadcast_in_dim3A_154 : vector<1x512xf32> to vector<512x512xf32>
        %add3A_156 = arith.addf %broadcast_in_dim3A_153, %broadcast_in_dim3A_155 : vector<512x512xf32>
        %sub3A_157 = arith.subf %add3A_156, %mul3A_151 : vector<512x512xf32>
        %add3A_158 = arith.constant 9.99999971E-10 : f32
        %add3A_159 = vector.broadcast %add3A_158 : f32 to vector<512x512xf32>
        %add3A_160 = arith.addf %sub3A_157, %add3A_159 : vector<512x512xf32>
        %div3A_161 = arith.divf %mul3A_151, %add3A_160 : vector<512x512xf32>
        %gt3A_162 = arith.constant 5.000000e-01 : f32
        %gt3A_163 = vector.broadcast %gt3A_162 : f32 to vector<512x512xf32>
        %gt3A_164 = arith.cmpf ogt, %div3A_161, %gt3A_163 : vector<512x512xf32>
        %jit3A_165 = arith.constant 1.000000e+00 : f32
        %jit3A_166 = arith.constant 0.000000e+00 : f32
        %broadcast_in_dim3A_167 = vector.broadcast %jit3A_165 : f32 to vector<512x512xf32>
        %broadcast_in_dim3A_168 = vector.broadcast %jit3A_166 : f32 to vector<512x512xf32>
        %select_n3A_169 = arith.select %gt3A_164, %broadcast_in_dim3A_167, %broadcast_in_dim3A_168 : vector<512x512xi1>, vector<512x512xf32>
        %dot_general3A = arith.constant dense<0.000000e+00> : vector<1x512xf32>
        %dot_general3A_170 = tpu.matmul %while3A_81#0, %select_n3A_169, %dot_general3A {dimension_numbers = #tpu.dot_dimension_numbers<[1], [0], [0], [1], [0, 0, 1, 1], [], []>, transpose_lhs_hint = false} : vector<1x512xf32>, vector<512x512xf32>, vector<1x512xf32> -> vector<1x512xf32>
        %get3A_171 = arith.index_cast %while3A_107 : i32 to index
        %get3A_172 = arith.constant 0 : index
        %get3A_173 = vector.load %arg9[%get3A_171, %get3A_172] : memref<40x512xf32, #tpu.memory_space<vmem>>, vector<1x512xf32>
        %gt3A_174 = arith.constant 0.000000e+00 : f32
        %gt3A_175 = vector.broadcast %gt3A_174 : f32 to vector<1x512xf32>
        %gt3A_176 = arith.cmpf ogt, %dot_general3A_170, %gt3A_175 : vector<1x512xf32>
        %jit3A_177 = arith.constant 0.000000e+00 : f32
        %broadcast_in_dim3A_178 = vector.broadcast %jit3A_177 : f32 to vector<1x512xf32>
        %select_n3A_179 = arith.select %gt3A_176, %broadcast_in_dim3A_178, %get3A_173 : vector<1x512xi1>, vector<1x512xf32>
        %swap3A_180 = arith.index_cast %while3A_107 : i32 to index
        %swap3A_181 = arith.constant 0 : index
        %swap3A_182 = vector.load %arg9[%swap3A_180, %swap3A_181] : memref<40x512xf32, #tpu.memory_space<vmem>>, vector<1x512xf32>
        tpu.vector_store %arg9[%swap3A_180, %swap3A_181], %select_n3A_179 {strides = array<i32>} : memref<40x512xf32, #tpu.memory_space<vmem>>, vector<1x512xf32>,
      }
      %while3A_106 = arith.constant 1 : i32
      scf.for %while3A_107 = %while3A_104 to %while3A_100 step %while3A_106  : i32 {
        %get3A_108 = arith.index_cast %while3A_107 : i32 to index
        %get3A_109 = arith.constant 0 : index
        %get3A_110 = vector.load %arg2[%get3A_108, %get3A_109] : memref<40x512xf32, #tpu.memory_space<vmem>>, vector<1x512xf32>
        %get3A_111 = arith.index_cast %while3A_107 : i32 to index
        %get3A_112 = arith.constant 0 : index
        %get3A_113 = vector.load %arg3[%get3A_111, %get3A_112] : memref<40x512xf32, #tpu.memory_space<vmem>>, vector<1x512xf32>
        %get3A_114 = arith.index_cast %while3A_107 : i32 to index
        %get3A_115 = arith.constant 0 : index
        %get3A_116 = vector.load %arg4[%get3A_114, %get3A_115] : memref<40x512xf32, #tpu.memory_space<vmem>>, vector<1x512xf32>
        %get3A_117 = arith.index_cast %while3A_107 : i32 to index
        %get3A_118 = arith.constant 0 : index
        %get3A_119 = vector.load %arg5[%get3A_117, %get3A_118] : memref<40x512xf32, #tpu.memory_space<vmem>>, vector<1x512xf32>
        %sub3A_120 = arith.subf %get3A_116, %get3A_110 : vector<1x512xf32>
        %sub3A_121 = arith.subf %get3A_119, %get3A_113 : vector<1x512xf32>
        %mul3A_122 = arith.mulf %sub3A_120, %sub3A_121 : vector<1x512xf32>
        %broadcast_in_dim3A_123 = vector.shape_cast %slice3A : vector<512x1xf32> to vector<512x1xf32>
        %broadcast_in_dim3A_124 = vector.broadcast %broadcast_in_dim3A_123 : vector<512x1xf32> to vector<512x512xf32>
        %broadcast_in_dim3A_125 = vector.shape_cast %get3A_110 : vector<1x512xf32> to vector<1x512xf32>
        %broadcast_in_dim3A_126 = vector.broadcast %broadcast_in_dim3A_125 : vector<1x512xf32> to vector<512x512xf32>
        %max3A_127 = arith.maximumf %broadcast_in_dim3A_124, %broadcast_in_dim3A_126 : vector<512x512xf32>
        %broadcast_in_dim3A_128 = vector.shape_cast %slice3A_15 : vector<512x1xf32> to vector<512x1xf32>
        %broadcast_in_dim3A_129 = vector.broadcast %broadcast_in_dim3A_128 : vector<512x1xf32> to vector<512x512xf32>
        %broadcast_in_dim3A_130 = vector.shape_cast %get3A_113 : vector<1x512xf32> to vector<1x512xf32>
        %broadcast_in_dim3A_131 = vector.broadcast %broadcast_in_dim3A_130 : vector<1x512xf32> to vector<512x512xf32>
        %max3A_132 = arith.maximumf %broadcast_in_dim3A_129, %broadcast_in_dim3A_131 : vector<512x512xf32>
        %broadcast_in_dim3A_133 = vector.shape_cast %slice3A_16 : vector<512x1xf32> to vector<512x1xf32>
        %broadcast_in_dim3A_134 = vector.broadcast %broadcast_in_dim3A_133 : vector<512x1xf32> to vector<512x512xf32>
        %broadcast_in_dim3A_135 = vector.shape_cast %get3A_116 : vector<1x512xf32> to vector<1x512xf32>
        %broadcast_in_dim3A_136 = vector.broadcast %broadcast_in_dim3A_135 : vector<1x512xf32> to vector<512x512xf32>
        %min3A_137 = arith.minimumf %broadcast_in_dim3A_134, %broadcast_in_dim3A_136 : vector<512x512xf32>
        %broadcast_in_dim3A_138 = vector.shape_cast %slice3A_17 : vector<512x1xf32> to vector<512x1xf32>
        %broadcast_in_dim3A_139 = vector.broadcast %broadcast_in_dim3A_138 : vector<512x1xf32> to vector<512x512xf32>
        %broadcast_in_dim3A_140 = vector.shape_cast %get3A_119 : vector<1x512xf32> to vector<1x512xf32>
        %broadcast_in_dim3A_141 = vector.broadcast %broadcast_in_dim3A_140 : vector<1x512xf32> to vector<512x512xf32>
        %min3A_142 = arith.minimumf %broadcast_in_dim3A_139, %broadcast_in_dim3A_141 : vector<512x512xf32>
        %sub3A_143 = arith.subf %min3A_137, %max3A_127 : vector<512x512xf32>
        %max3A_144 = arith.constant 0.000000e+00 : f32
        %max3A_145 = vector.broadcast %max3A_144 : f32 to vector<512x512xf32>
        %max3A_146 = arith.maximumf %sub3A_143, %max3A_145 : vector<512x512xf32>
        %sub3A_147 = arith.subf %min3A_142, %max3A_132 : vector<512x512xf32>
        %max3A_148 = arith.constant 0.000000e+00 : f32
        %max3A_149 = vector.broadcast %max3A_148 : f32 to vector<512x512xf32>
        %max3A_150 = arith.maximumf %sub3A_147, %max3A_149 : vector<512x512xf32>
        %mul3A_151 = arith.mulf %max3A_146, %max3A_150 : vector<512x512xf32>
        %broadcast_in_dim3A_152 = vector.shape_cast %mul3A_19 : vector<512x1xf32> to vector<512x1xf32>
        %broadcast_in_dim3A_153 = vector.broadcast %broadcast_in_dim3A_152 : vector<512x1xf32> to vector<512x512xf32>
        %broadcast_in_dim3A_154 = vector.shape_cast %mul3A_122 : vector<1x512xf32> to vector<1x512xf32>
        %broadcast_in_dim3A_155 = vector.broadcast %broadcast_in_dim3A_154 : vector<1x512xf32> to vector<512x512xf32>
        %add3A_156 = arith.addf %broadcast_in_dim3A_153, %broadcast_in_dim3A_155 : vector<512x512xf32>
        %sub3A_157 = arith.subf %add3A_156, %mul3A_151 : vector<512x512xf32>
        %add3A_158 = arith.constant 9.99999971E-10 : f32
        %add3A_159 = vector.broadcast %add3A_158 : f32 to vector<512x512xf32>
        %add3A_160 = arith.addf %sub3A_157, %add3A_159 : vector<512x512xf32>
        %div3A_161 = arith.divf %mul3A_151, %add3A_160 : vector<512x512xf32>
        %gt3A_162 = arith.constant 5.000000e-01 : f32
        %gt3A_163 = vector.broadcast %gt3A_162 : f32 to vector<512x512xf32>
        %gt3A_164 = arith.cmpf ogt, %div3A_161, %gt3A_163 : vector<512x512xf32>
        %jit3A_165 = arith.constant 1.000000e+00 : f32
        %jit3A_166 = arith.constant 0.000000e+00 : f32
        %broadcast_in_dim3A_167 = vector.broadcast %jit3A_165 : f32 to vector<512x512xf32>
        %broadcast_in_dim3A_168 = vector.broadcast %jit3A_166 : f32 to vector<512x512xf32>
        %select_n3A_169 = arith.select %gt3A_164, %broadcast_in_dim3A_167, %broadcast_in_dim3A_168 : vector<512x512xi1>, vector<512x512xf32>
        %dot_general3A = arith.constant dense<0.000000e+00> : vector<1x512xf32>
        %dot_general3A_170 = tpu.matmul %while3A_81#0, %select_n3A_169, %dot_general3A {dimension_numbers = #tpu.dot_dimension_numbers<[1], [0], [0], [1], [0, 0, 1, 1], [], []>, transpose_lhs_hint = false} : vector<1x512xf32>, vector<512x512xf32>, vector<1x512xf32> -> vector<1x512xf32>
        %get3A_171 = arith.index_cast %while3A_107 : i32 to index
        %get3A_172 = arith.constant 0 : index
        %get3A_173 = vector.load %arg9[%get3A_171, %get3A_172] : memref<40x512xf32, #tpu.memory_space<vmem>>, vector<1x512xf32>
        %gt3A_174 = arith.constant 0.000000e+00 : f32
        %gt3A_175 = vector.broadcast %gt3A_174 : f32 to vector<1x512xf32>
        %gt3A_176 = arith.cmpf ogt, %dot_general3A_170, %gt3A_175 : vector<1x512xf32>
        %jit3A_177 = arith.constant 0.000000e+00 : f32
        %broadcast_in_dim3A_178 = vector.broadcast %jit3A_177 : f32 to vector<1x512xf32>
        %select_n3A_179 = arith.select %gt3A_176, %broadcast_in_dim3A_178, %get3A_173 : vector<1x512xi1>, vector<1x512xf32>
        %swap3A_180 = arith.index_cast %while3A_107 : i32 to index
        %swap3A_181 = arith.constant 0 : index
        %swap3A_182 = vector.load %arg9[%swap3A_180, %swap3A_181] : memref<40x512xf32, #tpu.memory_space<vmem>>, vector<1x512xf32>
        tpu.vector_store %arg9[%swap3A_180, %swap3A_181], %select_n3A_179 {strides = array<i32>} : memref<40x512xf32, #tpu.memory_space<vmem>>, vector<1x512xf32>,
      }
    }
    %scan3A_10 = arith.constant 40 : i32
    return
  }
}

</mosaic_0001>

<sc_bundles>
// kernel: gather_offload_async_start.1
scs
__scs_entry_jumppad:
0x0: {  	(pc) =	sbr.rel $0x88, $3  }
0x1: {  	(tag) =	ssettag $0x0;
	lr =	simm.s32 $0x1  }
0x2: {  	[smem:$0x3F9E] =	sst lr;
	_ =	strace $0xD0000000  }
0x3: {  	_ = 	snop  }
0x4: {  	_ = 	snop  }
0x5: {  	_ = 	snop  }
0x6: {  	_ = 	snop  }
0x7: {  	_ = 	snop  }
__scs_overlays_trampoline_lowered:
0x8: {  	[smem:$0x3FAD] =	sst s0  }
0x9: {  	[smem:$0x3FAE] =	sst s1  }
0xa: {  	[smem:$0x3FAF] =	sst s2  }
0xb: {  	[smem:$0x3FB0] =	sst s3  }
0xc: {  	[smem:$0x3FB1] =	sst s4  }
0xd: {  	[smem:$0x3FB2] =	sst s5  }
0xe: {  	[smem:$0x3FB3] =	sst s6  }
0xf: {  	[smem:$0x3FB4] =	sst s7  }
0x10: {  	[smem:$0x3FB5] =	sst s8  }
0x11: {  	[smem:$0x3FB6] =	sst s9;
	s0 =	simm.s32 @!p0 $0x0  }
0x12: {  	s1 =	sld [smem:$0x3F9C];
	s0 =	simm.s32 @p0 $0x1  }
0x13: {  	[smem:$0x3FB7] =	sst s0;
	s0 =	simm.s32 @!p1 $0x0  }
0x14: {  	s2 =	sld [smem:$0x3F9B];
	s0 =	simm.s32 @p1 $0x1  }
0x15: {  	[smem:$0x3FB8] =	sst s0;
	s0 =	simm.s32 @!p2 $0x0  }
0x16: {  	s3 =	sld [smem:$0x3FDB];
	s0 =	simm.s32 @p2 $0x1  }
0x17: {  	s4 =	simm.s32 $0x1BF5;
	[smem:$0x3FBA] =	sst s0  }
0x18: {  	s0 =	sld [smem:$0x3F9D];
	_ =	swait.ge [sflag:s4], $0x0  }
0x19: {  	s7 =	sld [smem:$0x3F9E]  }
0x1a: {  	s8 =	sadd.s32 $0xFFFFE003, lr  }
0x1b: {  	s9 =	sadd.s32 $0xFFFFFEF7, lr;
	s5 =	simm.s32 $0xFFFFFFFF;
	p2 =	slt.u32 s8, $0xFFFFF086  }
0x1c: {  	p1 =	slt.u32 s9, $0xF7A;
	s5 =	simm.s32 @!p2 $0x0  }
0x1d: {  	s5 =	simm.s32 @p1 $0x1;
	p0 =	seq.s32 s7, s2  }
0x1e: {  	s7 =	smul.u32 @!p0 $0xF7A, s2;
	p2 =	seq.s32 @!p0 s5, $0x0  }
0x1f: {  	s9 =	smul.u32 $0xF7A, s1;
	s8 =	simm.s32 @!p0 $0x1BF5;
	p2 =	por !p2, p0  }
0x20: {  	[sflag:s8] =	ssyncset.s32 @!p0 $0xFFFFF086;
	s6 =	sadd.s32 @!p0 s3, s7;
	s7 =	simm.s32 @!p0 $0x108  }
0x21: {  	s3 =	sadd.s32 s3, s9;
	s6 =	sadd.s32 @!p0 $0x88, s6;
	s7 =	simm.s32 @p2 $0x1082  }
0x22: {  	[simem:s7], [sflag:s8] =	dma.local @!p0 [hbm:s6], $0xF7A  }
0x23: {  	s9 =	sor.u32 $0xD0000000, s2;
	s6 =	simm.s32 $0x108;
	_ =	swait.ge @!p0 [sflag:s8], $0x0  }
0x24: {  	s3 =	sadd.s32 $0x88, s3;
	s6 =	simm.s32 @!p1 $0x1082;
	[sflag:s4] =	ssyncset.s32 $0xFFFFF086  }
0x25: {  	[simem:s6], [sflag:s4] =	dma.local [hbm:s3], $0xF7A  }
0x26: {  	[smem:$0x3F9E] =	sst s1;
	(tag) =	ssettag s2;
	_ =	strace s9  }
0x27: {  	s1 =	sld [smem:$0x3FAE]  }
0x28: {  	s2 =	sld [smem:$0x3FAF]  }
0x29: {  	s4 =	sld [smem:$0x3FB1]  }
0x2a: {  	p0 =	seq.s32 s5, $0x0;
	s5 =	sld [smem:$0x3FB2]  }
0x2b: {  	s6 =	sld [smem:$0x3FB3]  }
0x2c: {  	s7 =	sld [smem:$0x3FB4]  }
0x2d: {  	s3 =	simm.s32 $0x108;
	s8 =	sld [smem:$0x3FB5]  }
0x2e: {  	s3 =	simm.s32 @!p0 $0x1082;
	s9 =	sld [smem:$0x3FB6]  }
0x2f: {  	lr =	sadd.s32 s0, s3;
	s0 =	sld [smem:$0x3FAD]  }
0x30: {  	s3 =	sld [smem:$0x3FB0]  }
0x31: {  	[smem:$0x3FB9] =	sst s10  }
0x32: {  	s10 =	sld [smem:$0x3FB7];
	_ =	sdelay $0x3  }
0x33: {  	p0 =	seq.s32 s10, $0x1;
	s10 =	sld [smem:$0x3FB9];
	_ =	sdelay $0x3  }
0x34: {  	[smem:$0x3FB9] =	sst s10  }
0x35: {  	s10 =	sld [smem:$0x3FB8];
	_ =	sdelay $0x3  }
0x36: {  	p1 =	seq.s32 s10, $0x1;
	s10 =	sld [smem:$0x3FB9];
	_ =	sdelay $0x3  }
0x37: {  	[smem:$0x3FB9] =	sst s10  }
0x38: {  	s10 =	sld [smem:$0x3FBA]  }
0x39: {  	_ = 	snop;
	(pc) =	sbr.ind lr, $3  }
0x3a: {  	_ = 	snop  }
0x3b: {  	_ = 	snop  }
0x3c: {  	p2 =	seq.s32 s10, $0x1;
	s10 =	sld [smem:$0x3FB9]  }
0x3d: {  	_ =	shalt  }
0x3e: {  	_ =	shalt  }
0x3f: {  	_ =	shalt  }
0x40: {  	_ =	shalt  }
0x41: {  	_ =	shalt  }
0x42: {  	_ =	shalt  }
0x43: {  	_ =	shalt  }
0x44: {  	_ =	shalt  }
0x45: {  	_ =	shalt  }
0x46: {  	_ =	shalt  }
0x47: {  	_ =	shalt  }
0x48: {  	_ =	shalt  }
0x49: {  	_ =	shalt  }
0x4a: {  	_ =	shalt  }
0x4b: {  	_ =	shalt  }
0x4c: {  	_ =	shalt  }
0x4d: {  	_ =	shalt  }
0x4e: {  	_ =	shalt  }
0x4f: {  	_ =	shalt  }
0x50: {  	_ =	shalt  }
0x51: {  	_ =	shalt  }
0x52: {  	_ =	shalt  }
0x53: {  	_ =	shalt  }
0x54: {  	_ =	shalt  }
0x55: {  	_ =	shalt  }
0x56: {  	_ =	shalt  }
0x57: {  	_ =	shalt  }
0x58: {  	_ =	shalt  }
0x59: {  	_ =	shalt  }
0x5a: {  	_ =	shalt  }
0x5b: {  	_ =	shalt  }
0x5c: {  	_ =	shalt  }
0x5d: {  	_ =	shalt  }
0x5e: {  	_ =	shalt  }
0x5f: {  	_ =	shalt  }
0x60: {  	_ =	shalt  }
0x61: {  	_ =	shalt  }
0x62: {  	_ =	shalt  }
0x63: {  	_ =	shalt  }
0x64: {  	_ =	shalt  }
0x65: {  	_ =	shalt  }
0x66: {  	_ =	shalt  }
0x67: {  	_ =	shalt  }
0x68: {  	_ =	shalt  }
0x69: {  	_ =	shalt  }
0x6a: {  	_ =	shalt  }
0x6b: {  	_ =	shalt  }
0x6c: {  	_ =	shalt  }
0x6d: {  	_ =	shalt  }
0x6e: {  	_ =	shalt  }
0x6f: {  	_ =	shalt  }
0x70: {  	_ =	shalt  }
0x71: {  	_ =	shalt  }
0x72: {  	_ =	shalt  }
0x73: {  	_ =	shalt  }
0x74: {  	_ =	shalt  }
0x75: {  	_ =	shalt  }
0x76: {  	_ =	shalt  }
0x77: {  	_ =	shalt  }
0x78: {  	_ =	shalt  }
0x79: {  	_ =	shalt  }
0x7a: {  	_ =	shalt  }
0x7b: {  	_ =	shalt  }
0x7c: {  	_ =	shalt  }
0x7d: {  	_ =	shalt  }
0x7e: {  	_ =	shalt  }
0x7f: {  	_ =	shalt  }
0x80: {  	_ =	shalt  }
0x81: {  	_ =	shalt  }
0x82: {  	_ =	shalt  }
0x83: {  	_ =	shalt  }
0x84: {  	_ =	shalt  }
0x85: {  	_ =	shalt  }
0x86: {  	_ =	shalt  }
0x87: {  	_ =	shalt  }
.Lfunc_end0:
.L_simem_size_0:
called_computation.1_lowered:
.L_overlay_start_0:
0x88: {  	s2 =	sld [smem:$0x3FD9]  }
0x89: {  	s3 =	sld [smem:$0x3FFE];
	_ =	sdelay $0x1  }
0x8a: {  	s1 =	srdreg.scid  }
0x8b: {  	s0 =	sand.u32 $0x1, s1  }
0x8c: {  	s17 =	sshll.u32 s0, $0xA;
	s2 =	sadd.s32 s3, s2  }
0x8d: {  	s2 =	sadd.s32 s2, s17  }
0x8e: {  	[smem:$0x3FC5] =	sst s2  }
0x8f: {  	_ = 	snop  }
0x90: {  	s18 =	sld [smem:$0x3FD0];
	(tm) =	ssettm $0x1  }
0x91: {  	s19 =	sld [smem:$0x3FFB];
	_ =	sdelay $0x3  }
0x92: {  	_ =	strace s19  }
0x93: {  	s2 =	sld [smem:$0x3FFC];
	_ =	sdelay $0x3  }
0x94: {  	_ =	strace s2  }
0x95: {  	s2 =	sld [smem:$0x3FFD];
	_ =	sdelay $0x3  }
0x96: {  	_ =	strace s2  }
0x97: {  	_ =	strace $0x8FFFFFFF  }
0x98: {  	s20 =	sld [smem:$0x3FDB];
	_ =	sdelay $0x1  }
0x99: {  	s4 =	simm.s32 $_scs_section_size  }
0x9a: {  	s5 =	simm.s32 $_size__tile_overlayer_lowered;
	s6 =	simm.s32 $_tile_overlayer_lowered  }
0x9b: {  	s7 =	simm.s32 $0x1BFF;
	s21 =	sshll.u32 s6, $0x1;
	s4 =	sadd.s32 s4, s20  }
0x9c: {  	s22 =	simm.s32 $0x0;
	s5 =	sshll.u32 s5, $0x1;
	s6 =	sadd.s32 s21, s4  }
0x9d: {  	[timem:s22], [sflag:s7] =	dma.local [hbm:s6], s5  }
0x9e: {  	_ =	swait.ge [sflag:s7], s5  }
0x9f: {  	s5 =	ssub.s32 $0x0, s5;
	[sflag:s7] =	ssyncset.done $0x0  }
0xa0: {  	[sflag:s7] =	ssyncadd.s32 s5;
	_ =	sdelay $0x1  }
0xa1: {  	s23 =	simm.s32 $0x1B8B  }
0xa2: {  	_ =	swait.ge [sflag:s23], $0x1  }
0xa3: {  	[sflag:s23] =	ssyncset.done $0x0  }
0xa4: {  	[sflag:s23] =	ssyncadd.s32 $0xFFFFFFFF  }
0xa5: {  	s5 =	sld [smem:$0x0]  }
0xa6: {  	s6 =	sand.u32 $0xFFFFFFFE, s1  }
0xa7: {  	p0 =	sne.s32 s1, s6  }
0xa8: {  	s6 =	sshll.u32 @p0 s6, $0xE  }
0xa9: {  	s6 =	sadd.s32 @p0 $0x11B8D, s6;
	s7 =	sshll.u32 @p0 s5, $0x11  }
0xaa: {  	s6 =	sor.u32 @p0 s7, s6  }
0xab: {  	[sflag:s6] =	ssyncadd.remote.s32 @p0 $0x1;
	_ =	sdelay $0x1  }
0xac: {  	s6 =	simm.s32 @p0 $0x1B8D  }
0xad: {  	_ =	swait.eq @p0 [sflag:s6], $0x1  }
0xae: {  	[sflag:s6] =	ssyncadd.s32 @p0 $0xFFFFFFFF  }
0xaf: {  	s7 =	sshll.u32 @!p0 s1, $0xE  }
0xb0: {  	s7 =	sor.u32 @!p0 $0x4000, s7;
	s6 =	simm.s32 @!p0 $0x1B8D  }
0xb1: {  	s5 =	sshll.u32 @!p0 s5, $0x11;
	s7 =	sadd.s32 @!p0 $0x11B8D, s7;
	_ =	swait.eq @!p0 [sflag:s6], $0x1  }
0xb2: {  	s5 =	sor.u32 @!p0 s5, s7;
	[sflag:s6] =	ssyncadd.s32 @!p0 $0xFFFFFFFF  }
0xb3: {  	s25 =	simm.s32 $0x1B8E;
	s24 =	sld [smem:$0x3FFE];
	[sflag:s5] =	ssyncadd.remote.s32 @!p0 $0x1  }
0xb4: {  	s26 =	simm.s32 $execute0_lowered;
	[smem:$0x3FD2] =	sst s25  }
0xb5: {  	s6 =	sshll.u32 s26, $0x1;
	_ =	strace $0x80000049;
	[dreg:$0x1] =	wrdreg $0xFFFFFFFF  }
0xb6: {  	s28 =	simm.s32 $_size_execute0_lowered;
	s4 =	sadd.s32 s4, s6;
	[dreg:$0x0] =	wrdreg $0x0  }
0xb7: {  	s6 =	sshll.u32 s28, $0x1;
	[dreg:$0x2] =	wrdreg s4  }
0xb8: {  	[dreg:$0x3] =	wrdreg s6  }
0xb9: {  	[dreg:$0x4] =	wrdreg $0xC0  }
0xba: {  	_ =	task [dreg:s22], $0x5FFFF  }
0xbb: {  	[dreg:$0x1] =	wrdreg $0xFFFFFFFF  }
0xbc: {  	[dreg:$0x0] =	wrdreg $0x60  }
0xbd: {  	[dreg:$0x2] =	wrdreg s24  }
0xbe: {  	[dreg:$0x3] =	wrdreg s18  }
0xbf: {  	[dreg:$0x4] =	wrdreg $0x9  }
0xc0: {  	_ =	task.clear_ibuf [dreg:s22], $0x5FFFF;
	_ =	strace $0x90000049  }
0xc1: {  	s29 =	simm.s32 $0x9;
	_ =	strace $0x8000004B  }
0xc2: {  	_ =	swait.ge [sflag:s29], $0x1  }
0xc3: {  	[sflag:s29] =	ssyncadd.s32 $0xFFFFFFFF  }
0xc4: {  	_ =	strace $0x9000004B  }
0xc5: {  	_ =	sfence  }
0xc6: {  	s30 =	sld [smem:$0x0];
	_ =	sdelay $0x2  }
0xc7: {  	s31 =	sshll.u32 s1, $0xD;
	s1 =	sshrl.u32 s1, $0x2  }
0xc8: {  	s4 =	sand.u32 $0x4000, s31;
	s1 =	sadd.s32 s1, s30  }
0xc9: {  	s0 =	sor.u32 s4, s0;
	s1 =	sshll.u32 s1, $0x11  }
0xca: {  	s0 =	sor.u32 s1, s0  }
0xcb: {  	s0 =	sadd.s32 $0x8F2B, s0  }
0xcc: {  	[sflag:s0] =	ssyncadd.remote.s32 $0x1  }
0xcd: {  	_ =	sfence.sel $0xFFFF  }
0xce: {  	[dreg:$0x0] =	wrdreg $0xFFFFFFFF;
	(pc) =	sbr.abs _section_cstart, $3  }
0xcf: {  	[dreg:$0x1] =	wrdreg $0xFFFFFFFF  }
0xd0: {  	_ =	task.clear_ibuf [dreg:s22], $0x2FFFF;
	_ =	strace $0x9FFFFFFF  }
0xd1: {  	(tm) =	ssettm $0x7FFFFFFF  }
tec
execute0_lowered:
.L_overlay_start_1:
0x0: {  	(tag) =	ssettag $0x1  }
0x1: {  	s0 =	srdreg.scid  }
0x2: {  	s1 =	sshll.u32 s0, $0x4  }
0x3: {  	s0 =	stileid.u32;
	s1 =	sand.u32 $0x10, s1  }
0x4: {  	s2 =	sor.u32 s0, s1  }
0x5: {  	s1 =	smin.u32 s2, $0x12  }
0x6: {  	s1 =	sadd.s32 s2, s1  }
0x7: {  	p0 =	slt.u32 s2, $0x12;
	s2 =	simm.s32 $0x320;
	s1 =	smul.u32 $0x190, s1  }
0x8: {  	s2 =	simm.s32 @!p0 $0x190  }
0x9: {  	s2 =	sadd.s32 s2, s1  }
0xa: {  	s3 =	smin.u32 s2, $0x4E20  }
0xb: {  	s7 =	ssub.s32 s3, s1  }
0xc: {  	p0 =	sgt.s32 s7, $0x0  }
0xd: {  	s7 =	simm.s32 @!p0 $0x0  }
0xe: {  	s31 =	sand.u32 $0xFFF0, s7  }
0xf: {  	s2 =	sshrl.u32 s31, $0x4  }
0x10: {  	s4 =	rddreg [dreg:$0x0];
	s2 =	smul.u32 $0xA3E, s2  }
0x11: {  	s5 =	rddreg [dreg:$0x1]  }
0x12: {  	s6 =	simm.s32 $0x1;
	s10 =	simm.s32 $0x3;
	s8 =	sshrl.u32 s2, $0x10  }
0x13: {  	s13 =	simm.s32 $0x0;
	s12 =	simm.s32 $0x0;
	s9 =	smul.u32 $0x190, s8  }
.Ltmp0:
0x14: {  	s11 =	smov.u32 s1;
	s2 =	rddreg [dreg:$0x2];
	(pc) =	sbr.rel .LBB2_1-.Ltmp0, $4  }
0x15: {  	_ =	strace $0x8000004A;
	p0 =	sne.s32 s7, s9;
	s9 =	simm.s32 $0x1  }
0x16: {  	[sflag:s6] =	ssyncpa.u1 $0x0;
	s7 =	simm.s32 $0x2;
	s9 =	simm.s32 @!p0 $0x0  }
0x17: {  	[sflag:s7] =	ssyncpa.u1 $0x0;
	p0 =	por $0x0, $0x0;
	s8 =	sadd.s32 s8, s9  }
0x18: {  	vm0 =	vmmov $0xff;
	vm1 =	vcmask $0x3F20;
	s9 =	sadd.s32 $0x4EC00, s4;
	[sflag:s10] =	ssyncpa.u1 $0x0;
	s10 =	sadd.s32 $0x1, s8  }
.LBB2_6:
0x19: {  	[hbm:s17] =	stream.linear.scatter [tilespmem:s14], [sflag:$0x3], $0x400, $0x38;
	[tilespmem:$0x19320] =	vst v63  }
.LBB2_7:
0x1a: {  	s13 =	sadd.s32 $0x190, s11  }
0x1b: {  	s15 =	smov.u32 s1;
	p2 =	slt.s32 s13, s3  }
0x1c: {  	s15 =	smov.u32 @p2 s13;
	p2 =	sne.s32 s12, s10  }
.Ltmp1:
0x1d: {  	p1 =	slt.u32 s12, $0x2;
	(pc) =	sbr.rel @!p2 .LBB2_8-.Ltmp1, $4  }
0x1e: {  	s14 =	simm.s32 @!p1 $0x3  }
0x1f: {  	s16 =	sadd.s32 $0x1, s12;
	_ =	swait.ge @!p1 [sflag:s14], $0xC800  }
0x20: {  	p0 =	por !p0, !p0;
	s13 =	smov.u32 s11;
	[sflag:s14] =	ssyncset.done @!p1 $0x0  }
0x21: {  	s12 =	smov.u32 s16;
	s11 =	smov.u32 s15;
	[sflag:s14] =	ssyncadd.s32 @!p1 $0xFFFF3800  }
.LBB2_1:
0x22: {  	p1 =	sge.u32 s12, s8  }
0x23: {  	s14 =	sxor.u32 @!p1 $0xFFFFFFFF, s12  }
0x24: {  	s14 =	sand.u32 @!p1 $0x1, s14  }
0x25: {  	s14 =	smul.u32 @!p1 $0x640, s14  }
0x26: {  	s31 =	sadd.s32 $0xFFFFFFFF, s12;
	s15 =	sshrl.u32 @!p1 s11, $0x3  }
0x27: {  	s16 =	sand.u32 @!p1 $0x7, s11;
	s15 =	sadd.s32 @!p1 s5, s15;
	s14 =	sshrl.u32 @!p1 s14, $0x2  }
0x28: {  	[tilespmem:s14], [sflag:$0x2] =	stream.linear.gather @!p1 [hbm4b:s15+s16], $0x190, $0x38;
	[tilespmem:$0x19320] =	vst v63  }
0x29: {  	p1 =	sge.u32 s31, s8  }
.Ltmp2:
0x2a: {  	_ = 	snop;
	(pc) =	sbr.rel @p1 .LBB2_7-.Ltmp2, $1  }
0x2b: {  	_ =	sdelay $0x3  }
0x2c: {  	s14 =	simm.s32 $0x1  }
0x2d: {  	s14 =	simm.s32 @!p0 $0x0  }
0x2e: {  	s15 =	smul.u32 $0x640, s14  }
0x2f: {  	_ =	swait.ge [sflag:s7], $0x190  }
0x30: {  	[sflag:s7] =	ssyncset.done $0x0;
	s16 =	sshrl.u32 s15, $0x2  }
0x31: {  	[sflag:s7] =	ssyncadd.s32 $0xFFFFFE70;
	s15 =	sadd.s32 $0x0, s16  }
0x32: {  	v0 =	vld.msk [tilespmem:s15+$0x0 ss:$0x1], $0xffff;
	_ =	sdelay $0x4  }
0x33: {  	vm2 =	vgt.s32 v0, $0x0  }
0x34: {  	v0 =	vnsel vm2, $0x0, v0  }
0x35: {  	v0 =	vmin.u32 v0, $0x4E1F  }
0x36: {  	v0 =	vshll.u32 v0, $0x4  }
0x37: {  	s14 =	smul.u32 $0x32000, s14;
	_ =	sdelay $0x1  }
0x38: {  	s14 =	sshrl.u32 s14, $0x2  }
0x39: {  	s14 =	sor.u32 $0x320, s14  }
0x3a: {  	[tilespmem:s14], [sflag:$0x1] =	stream.indirect_vreg.gather [hbm:s4], $0x80, v0, vm0, $0x38;
	[tilespmem:$0x19320] =	vst v63  }
0x3b: {  	s17 =	sadd.s32 $0x10, s16;
	s15 =	sadd.s32 $0x400, s14  }
0x3c: {  	[tilespmem:s15], [sflag:$0x1] =	stream.indirect_vreg.gather [hbm:s4], $0x80, v0, vm1, $0x38;
	[tilespmem:$0x19320] =	vst v63  }
0x3d: {  	s18 =	simm.s32 $0x80;
	v0 =	vld.msk [tilespmem:s17+$0x0 ss:$0x1], $0xffff;
	s17 =	smov.u32 s14  }
.LBB2_3:
0x3e: {  	p1 =	sne.s32 s18, $0x600;
	_ =	sdelay $0x4  }
0x3f: {  	vm2 =	vgt.s32 v0, $0x0  }
0x40: {  	v0 =	vnsel vm2, $0x0, v0  }
0x41: {  	v0 =	vmin.u32 v0, $0x4E1F  }
0x42: {  	v0 =	vshll.u32 v0, $0x4;
	_ =	sdelay $0x3  }
.Ltmp3:
0x43: {  	s19 =	sshra.s32 s18, $0x2;
	s17 =	sadd.s32 $0x800, s17;
	(pc) =	sbr.rel @p1 .LBB2_3-.Ltmp3, $4  }
0x44: {  	[tilespmem:s17], [sflag:$0x1] =	stream.indirect_vreg.gather [hbm:s4], $0x80, v0, vm0, $0x38;
	[tilespmem:$0x19320] =	vst v63  }
0x45: {  	s19 =	sadd.s32 s19, s16;
	s20 =	sadd.s32 $0x400, s17  }
0x46: {  	[tilespmem:s20], [sflag:$0x1] =	stream.indirect_vreg.gather [hbm:s4], $0x80, v0, vm1, $0x38;
	[tilespmem:$0x19320] =	vst v63  }
0x47: {  	s18 =	sadd.s32 $0x40, s18;
	v0 =	vld.msk [tilespmem:s19+$0x0 ss:$0x1], $0xffff  }
0x48: {  	_ =	sdelay $0x3  }
0x49: {  	vm2 =	vgt.s32 v0, $0x0  }
0x4a: {  	v0 =	vnsel vm2, $0x0, v0  }
0x4b: {  	v0 =	vmin.u32 v0, $0x4E1F  }
0x4c: {  	v0 =	vshll.u32 v0, $0x4;
	_ =	sdelay $0x3  }
0x4d: {  	s16 =	sadd.s32 $0x800, s17  }
0x4e: {  	[tilespmem:s16], [sflag:$0x1] =	stream.indirect_vreg.gather [hbm:s4], $0x80, v0, vm0, $0x38;
	[tilespmem:$0x19320] =	vst v63  }
0x4f: {  	s16 =	sadd.s32 $0x400, s16  }
0x50: {  	[tilespmem:s16], [sflag:$0x1] =	stream.indirect_vreg.gather [hbm:s4], $0x80, v0, vm1, $0x38;
	[tilespmem:$0x19320] =	vst v63  }
0x51: {  	s13 =	sshll.u32 s13, $0x4;
	_ =	swait.ge [sflag:s6], $0xC800  }
0x52: {  	s13 =	sadd.s32 s13, s9;
	[sflag:s6] =	ssyncset.done $0x0  }
0x53: {  	s17 =	sadd.s32 $0x0, s13;
	s16 =	simm.s32 $0x80;
	[sflag:s6] =	ssyncadd.s32 $0xFFFF3800  }
.LBB2_5:
0x54: {  	[hbm:s17] =	stream.linear.scatter [tilespmem:s14], [sflag:$0x3], $0x400, $0x38;
	[tilespmem:$0x19320] =	vst v63  }
0x55: {  	s17 =	smov.u32 s16;
	s14 =	smov.u32 s15;
	p1 =	sne.s32 s16, $0x1880  }
.Ltmp4:
0x56: {  	s16 =	sadd.s32 $0x80, s16;
	(pc) =	sbr.rel @p1 .LBB2_5-.Ltmp4, $2  }
0x57: {  	_ =	sdelay $0x2  }
0x58: {  	s15 =	sadd.s32 $0x400, s15;
	s17 =	sadd.s32 s17, s13  }
.Ltmp5:
0x59: {  	_ = 	snop;
	(pc) =	sbr.rel .LBB2_6-.Ltmp5, $1  }
0x5a: {  	_ =	sdelay $0x3  }
.LBB2_8:
0x5b: {  	_ =	sfence.sel $0x180000  }
0x5c: {  	s1 =	simm.s32 $0x2;
	[bflag:$0x0] =	sbarrier.arrive $0xFFFF  }
0x5d: {  	s30 =	simm.s32 $0x3;
	[sflag:s1] =	ssyncpa.u1 $0x1  }
0x5e: {  	s31 =	simm.s32 $0x1;
	[sflag:s30] =	ssyncpa.u1 $0x1  }
0x5f: {  	[sflag:s31] =	ssyncpa.u1 $0x1  }
0x60: {  	p0 =	sne.s32 s0, $0x0;
	_ =	strace $0x9000004A  }
0x61: {  	s0 =	sadd.s32 @!p0 $0x100000, s2;
	[bflag:$0x2] =	sbarrier.arrive $0xFFFF  }
0x62: {  	[sflag:s0] =	ssyncadd.tile.s32 @!p0 $0x1;
	_ =	shalt  }
.Lfunc_end2:
_tile_overlayer_lowered:
.L_overlay_start_2:
0x63: {  	(tag) =	ssettag $0x2  }
0x64: {  	s0 =	rddreg [dreg:$0x0];
	s2 =	stileid.u32  }
0x65: {  	s1 =	rddreg [dreg:$0x1];
	p0 =	sne.s32 s2, $0x0  }
0x66: {  	s3 =	rddreg [dreg:$0x2];
	[bflag:$0x3] =	sbarrier.arrive $0xFFFF;
	s2 =	simm.s32 @!p0 $0x1C01  }
0x67: {  	[timem:s3], [sflag:s2] =	dma.local @!p0 [hbm:s0], s1  }
0x68: {  	s0 =	simm.s32 @!p0 $0x1  }
0x69: {  	_ =	swait.ge @!p0 [sflag:s0], s1  }
0x6a: {  	s1 =	ssub.s32 @!p0 $0x0, s1;
	[sflag:s0] =	ssyncset.done @!p0 $0x0  }
0x6b: {  	[sflag:s0] =	ssyncadd.s32 @!p0 s1  }
0x6c: {  	[bflag:$0x3] =	sbarrier.arrive $0xFFFF  }
0x6d: {  	_ =	shalt  }

// kernel: gather_offload_async_start.2
scs
__scs_entry_jumppad:
0x0: {  	(pc) =	sbr.rel $0x88, $3  }
0x1: {  	(tag) =	ssettag $0x0;
	lr =	simm.s32 $0x1  }
0x2: {  	[smem:$0x3F9E] =	sst lr;
	_ =	strace $0xD0000000  }
0x3: {  	_ = 	snop  }
0x4: {  	_ = 	snop  }
0x5: {  	_ = 	snop  }
0x6: {  	_ = 	snop  }
0x7: {  	_ = 	snop  }
__scs_overlays_trampoline_lowered:
0x8: {  	[smem:$0x3FAD] =	sst s0  }
0x9: {  	[smem:$0x3FAE] =	sst s1  }
0xa: {  	[smem:$0x3FAF] =	sst s2  }
0xb: {  	[smem:$0x3FB0] =	sst s3  }
0xc: {  	[smem:$0x3FB1] =	sst s4  }
0xd: {  	[smem:$0x3FB2] =	sst s5  }
0xe: {  	[smem:$0x3FB3] =	sst s6  }
0xf: {  	[smem:$0x3FB4] =	sst s7  }
0x10: {  	[smem:$0x3FB5] =	sst s8  }
0x11: {  	[smem:$0x3FB6] =	sst s9;
	s0 =	simm.s32 @!p0 $0x0  }
0x12: {  	s1 =	sld [smem:$0x3F9C];
	s0 =	simm.s32 @p0 $0x1  }
0x13: {  	[smem:$0x3FB7] =	sst s0;
	s0 =	simm.s32 @!p1 $0x0  }
0x14: {  	s2 =	sld [smem:$0x3F9B];
	s0 =	simm.s32 @p1 $0x1  }
0x15: {  	[smem:$0x3FB8] =	sst s0;
	s0 =	simm.s32 @!p2 $0x0  }
0x16: {  	s3 =	sld [smem:$0x3FDB];
	s0 =	simm.s32 @p2 $0x1  }
0x17: {  	s4 =	simm.s32 $0x1BF5;
	[smem:$0x3FBA] =	sst s0  }
0x18: {  	s0 =	sld [smem:$0x3F9D];
	_ =	swait.ge [sflag:s4], $0x0  }
0x19: {  	s7 =	sld [smem:$0x3F9E]  }
0x1a: {  	s8 =	sadd.s32 $0xFFFFE003, lr  }
0x1b: {  	s9 =	sadd.s32 $0xFFFFFEF7, lr;
	s5 =	simm.s32 $0xFFFFFFFF;
	p2 =	slt.u32 s8, $0xFFFFF086  }
0x1c: {  	p1 =	slt.u32 s9, $0xF7A;
	s5 =	simm.s32 @!p2 $0x0  }
0x1d: {  	s5 =	simm.s32 @p1 $0x1;
	p0 =	seq.s32 s7, s2  }
0x1e: {  	s7 =	smul.u32 @!p0 $0xF7A, s2;
	p2 =	seq.s32 @!p0 s5, $0x0  }
0x1f: {  	s9 =	smul.u32 $0xF7A, s1;
	s8 =	simm.s32 @!p0 $0x1BF5;
	p2 =	por !p2, p0  }
0x20: {  	[sflag:s8] =	ssyncset.s32 @!p0 $0xFFFFF086;
	s6 =	sadd.s32 @!p0 s3, s7;
	s7 =	simm.s32 @!p0 $0x108  }
0x21: {  	s3 =	sadd.s32 s3, s9;
	s6 =	sadd.s32 @!p0 $0x88, s6;
	s7 =	simm.s32 @p2 $0x1082  }
0x22: {  	[simem:s7], [sflag:s8] =	dma.local @!p0 [hbm:s6], $0xF7A  }
0x23: {  	s9 =	sor.u32 $0xD0000000, s2;
	s6 =	simm.s32 $0x108;
	_ =	swait.ge @!p0 [sflag:s8], $0x0  }
0x24: {  	s3 =	sadd.s32 $0x88, s3;
	s6 =	simm.s32 @!p1 $0x1082;
	[sflag:s4] =	ssyncset.s32 $0xFFFFF086  }
0x25: {  	[simem:s6], [sflag:s4] =	dma.local [hbm:s3], $0xF7A  }
0x26: {  	[smem:$0x3F9E] =	sst s1;
	(tag) =	ssettag s2;
	_ =	strace s9  }
0x27: {  	s1 =	sld [smem:$0x3FAE]  }
0x28: {  	s2 =	sld [smem:$0x3FAF]  }
0x29: {  	s4 =	sld [smem:$0x3FB1]  }
0x2a: {  	p0 =	seq.s32 s5, $0x0;
	s5 =	sld [smem:$0x3FB2]  }
0x2b: {  	s6 =	sld [smem:$0x3FB3]  }
0x2c: {  	s7 =	sld [smem:$0x3FB4]  }
0x2d: {  	s3 =	simm.s32 $0x108;
	s8 =	sld [smem:$0x3FB5]  }
0x2e: {  	s3 =	simm.s32 @!p0 $0x1082;
	s9 =	sld [smem:$0x3FB6]  }
0x2f: {  	lr =	sadd.s32 s0, s3;
	s0 =	sld [smem:$0x3FAD]  }
0x30: {  	s3 =	sld [smem:$0x3FB0]  }
0x31: {  	[smem:$0x3FB9] =	sst s10  }
0x32: {  	s10 =	sld [smem:$0x3FB7];
	_ =	sdelay $0x3  }
0x33: {  	p0 =	seq.s32 s10, $0x1;
	s10 =	sld [smem:$0x3FB9];
	_ =	sdelay $0x3  }
0x34: {  	[smem:$0x3FB9] =	sst s10  }
0x35: {  	s10 =	sld [smem:$0x3FB8];
	_ =	sdelay $0x3  }
0x36: {  	p1 =	seq.s32 s10, $0x1;
	s10 =	sld [smem:$0x3FB9];
	_ =	sdelay $0x3  }
0x37: {  	[smem:$0x3FB9] =	sst s10  }
0x38: {  	s10 =	sld [smem:$0x3FBA]  }
0x39: {  	_ = 	snop;
	(pc) =	sbr.ind lr, $3  }
0x3a: {  	_ = 	snop  }
0x3b: {  	_ = 	snop  }
0x3c: {  	p2 =	seq.s32 s10, $0x1;
	s10 =	sld [smem:$0x3FB9]  }
0x3d: {  	_ =	shalt  }
0x3e: {  	_ =	shalt  }
0x3f: {  	_ =	shalt  }
0x40: {  	_ =	shalt  }
0x41: {  	_ =	shalt  }
0x42: {  	_ =	shalt  }
0x43: {  	_ =	shalt  }
0x44: {  	_ =	shalt  }
0x45: {  	_ =	shalt  }
0x46: {  	_ =	shalt  }
0x47: {  	_ =	shalt  }
0x48: {  	_ =	shalt  }
0x49: {  	_ =	shalt  }
0x4a: {  	_ =	shalt  }
0x4b: {  	_ =	shalt  }
0x4c: {  	_ =	shalt  }
0x4d: {  	_ =	shalt  }
0x4e: {  	_ =	shalt  }
0x4f: {  	_ =	shalt  }
0x50: {  	_ =	shalt  }
0x51: {  	_ =	shalt  }
0x52: {  	_ =	shalt  }
0x53: {  	_ =	shalt  }
0x54: {  	_ =	shalt  }
0x55: {  	_ =	shalt  }
0x56: {  	_ =	shalt  }
0x57: {  	_ =	shalt  }
0x58: {  	_ =	shalt  }
0x59: {  	_ =	shalt  }
0x5a: {  	_ =	shalt  }
0x5b: {  	_ =	shalt  }
0x5c: {  	_ =	shalt  }
0x5d: {  	_ =	shalt  }
0x5e: {  	_ =	shalt  }
0x5f: {  	_ =	shalt  }
0x60: {  	_ =	shalt  }
0x61: {  	_ =	shalt  }
0x62: {  	_ =	shalt  }
0x63: {  	_ =	shalt  }
0x64: {  	_ =	shalt  }
0x65: {  	_ =	shalt  }
0x66: {  	_ =	shalt  }
0x67: {  	_ =	shalt  }
0x68: {  	_ =	shalt  }
0x69: {  	_ =	shalt  }
0x6a: {  	_ =	shalt  }
0x6b: {  	_ =	shalt  }
0x6c: {  	_ =	shalt  }
0x6d: {  	_ =	shalt  }
0x6e: {  	_ =	shalt  }
0x6f: {  	_ =	shalt  }
0x70: {  	_ =	shalt  }
0x71: {  	_ =	shalt  }
0x72: {  	_ =	shalt  }
0x73: {  	_ =	shalt  }
0x74: {  	_ =	shalt  }
0x75: {  	_ =	shalt  }
0x76: {  	_ =	shalt  }
0x77: {  	_ =	shalt  }
0x78: {  	_ =	shalt  }
0x79: {  	_ =	shalt  }
0x7a: {  	_ =	shalt  }
0x7b: {  	_ =	shalt  }
0x7c: {  	_ =	shalt  }
0x7d: {  	_ =	shalt  }
0x7e: {  	_ =	shalt  }
0x7f: {  	_ =	shalt  }
0x80: {  	_ =	shalt  }
0x81: {  	_ =	shalt  }
0x82: {  	_ =	shalt  }
0x83: {  	_ =	shalt  }
0x84: {  	_ =	shalt  }
0x85: {  	_ =	shalt  }
0x86: {  	_ =	shalt  }
0x87: {  	_ =	shalt  }
.Lfunc_end0:
.L_simem_size_0:
called_computation.2_lowered:
.L_overlay_start_0:
0x88: {  	s2 =	sld [smem:$0x3FD9]  }
0x89: {  	s3 =	sld [smem:$0x3FFE];
	_ =	sdelay $0x1  }
0x8a: {  	s1 =	srdreg.scid  }
0x8b: {  	s0 =	sand.u32 $0x1, s1  }
0x8c: {  	s17 =	sshll.u32 s0, $0xA;
	s2 =	sadd.s32 s3, s2  }
0x8d: {  	s2 =	sadd.s32 s2, s17  }
0x8e: {  	[smem:$0x3FC5] =	sst s2  }
0x8f: {  	_ = 	snop  }
0x90: {  	s2 =	sld [smem:$0x3FC8]  }
0x91: {  	s18 =	sld [smem:$0x3FD0];
	(tm) =	ssettm $0x1  }
0x92: {  	s4 =	sld [smem:$0x3FFB];
	_ =	sdelay $0x3  }
0x93: {  	_ =	strace s4  }
0x94: {  	s4 =	sld [smem:$0x3FFC];
	_ =	sdelay $0x3  }
0x95: {  	_ =	strace s4  }
0x96: {  	s4 =	sld [smem:$0x3FFD];
	_ =	sdelay $0x3  }
0x97: {  	_ =	strace s4  }
0x98: {  	_ =	strace $0x8FFFFFFF  }
0x99: {  	s19 =	sld [smem:$0x3FDB];
	_ =	sdelay $0x1  }
0x9a: {  	s5 =	simm.s32 $_scs_section_size  }
0x9b: {  	s6 =	simm.s32 $_size__tile_overlayer_lowered;
	s7 =	simm.s32 $_tile_overlayer_lowered  }
0x9c: {  	s22 =	simm.s32 $0x1BFF;
	s21 =	sshll.u32 s7, $0x1;
	s4 =	sadd.s32 s5, s19  }
0x9d: {  	s8 =	simm.s32 $0x0;
	s20 =	sshll.u32 s6, $0x1;
	s6 =	sadd.s32 s21, s4  }
0x9e: {  	[timem:s8], [sflag:s22] =	dma.local [hbm:s6], s20  }
0x9f: {  	_ =	swait.ge [sflag:s22], s20  }
0xa0: {  	s5 =	ssub.s32 $0x0, s20;
	[sflag:s22] =	ssyncset.done $0x0  }
0xa1: {  	[sflag:s22] =	ssyncadd.s32 s5;
	_ =	sdelay $0x1  }
0xa2: {  	s23 =	simm.s32 $0x1B8B  }
0xa3: {  	_ =	swait.ge [sflag:s23], $0x1  }
0xa4: {  	[sflag:s23] =	ssyncset.done $0x0  }
0xa5: {  	s25 =	simm.s32 $0x1B8E;
	s24 =	sld [smem:$0x3FFE];
	[sflag:s23] =	ssyncadd.s32 $0xFFFFFFFF  }
0xa6: {  	s26 =	simm.s32 $execute0_lowered;
	[smem:$0x3FD2] =	sst s25  }
0xa7: {  	s6 =	sshll.u32 s26, $0x1;
	_ =	strace $0x80000046;
	[dreg:$0x1] =	wrdreg $0xFFFFFFFF  }
0xa8: {  	s28 =	simm.s32 $_size_execute0_lowered;
	s4 =	sadd.s32 s4, s6;
	[dreg:$0x0] =	wrdreg $0x0  }
0xa9: {  	s6 =	sshll.u32 s28, $0x1;
	[dreg:$0x2] =	wrdreg s4  }
0xaa: {  	[dreg:$0x3] =	wrdreg s6  }
0xab: {  	[dreg:$0x4] =	wrdreg $0xC0  }
0xac: {  	_ =	task [dreg:s8], $0x5FFFF  }
0xad: {  	[dreg:$0x1] =	wrdreg $0xFFFFFFFF  }
0xae: {  	[dreg:$0x0] =	wrdreg $0x60  }
0xaf: {  	[dreg:$0x2] =	wrdreg s2  }
0xb0: {  	[dreg:$0x3] =	wrdreg s18  }
0xb1: {  	[dreg:$0x4] =	wrdreg s24  }
0xb2: {  	[dreg:$0x5] =	wrdreg $0xA  }
0xb3: {  	_ =	task.clear_ibuf [dreg:s8], $0x6FFFF;
	_ =	strace $0x90000046  }
0xb4: {  	s29 =	simm.s32 $0xA;
	_ =	strace $0x80000048  }
0xb5: {  	_ =	swait.ge [sflag:s29], $0x1  }
0xb6: {  	[sflag:s29] =	ssyncadd.s32 $0xFFFFFFFF  }
0xb7: {  	_ =	strace $0x90000048  }
0xb8: {  	_ =	sfence  }
0xb9: {  	s30 =	sld [smem:$0x0];
	_ =	sdelay $0x2  }
0xba: {  	s31 =	sshll.u32 s1, $0xD;
	s1 =	sshrl.u32 s1, $0x2  }
0xbb: {  	s3 =	sand.u32 $0x4000, s31;
	s1 =	sadd.s32 s1, s30  }
0xbc: {  	s0 =	sor.u32 s3, s0;
	s1 =	sshll.u32 s1, $0x11  }
0xbd: {  	s0 =	sor.u32 s1, s0  }
0xbe: {  	s0 =	sadd.s32 $0x8F2B, s0  }
0xbf: {  	[sflag:s0] =	ssyncadd.remote.s32 $0x1  }
0xc0: {  	_ =	sfence.sel $0xFFFF  }
0xc1: {  	[dreg:$0x0] =	wrdreg $0xFFFFFFFF;
	(pc) =	sbr.abs _section_cstart, $3  }
0xc2: {  	[dreg:$0x1] =	wrdreg $0xFFFFFFFF  }
0xc3: {  	_ =	task.clear_ibuf [dreg:s8], $0x2FFFF;
	_ =	strace $0x9FFFFFFF  }
0xc4: {  	(tm) =	ssettm $0x7FFFFFFF  }
0xc5: {  	_ =	shalt  }
tec
execute0_lowered:
.L_overlay_start_1:
0x0: {  	(tag) =	ssettag $0x1  }
0x1: {  	s2 =	rddreg [dreg:$0x0]  }
0x2: {  	s3 =	rddreg [dreg:$0x1]  }
0x3: {  	s8 =	rddreg [dreg:$0x2];
	s1 =	stileid.u32  }
0x4: {  	s4 =	srdreg.scid;
	s0 =	rddreg [dreg:$0x3];
	_ =	strace $0x80000047  }
0x5: {  	s7 =	simm.s32 $0x1;
	s9 =	simm.s32 $0x1;
	s10 =	simm.s32 $0x3  }
0x6: {  	s13 =	simm.s32 $0x0;
	s5 =	sand.u32 $0x1, s4;
	s6 =	sshll.u32 s1, $0x1  }
0x7: {  	s12 =	simm.s32 $0x0;
	s4 =	simm.s32 $0x1;
	s5 =	sor.u32 s6, s5  }
.Ltmp0:
0x8: {  	[sflag:s4] =	ssyncpa.u1 $0x0;
	p0 =	slt.u32 s5, $0x13;
	(pc) =	sbr.rel .LBB2_1-.Ltmp0, $4  }
0x9: {  	s6 =	simm.s32 $0x2;
	s7 =	simm.s32 @!p0 $0x0;
	p0 =	sne.s32 s5, $0x12  }
0xa: {  	[sflag:s6] =	ssyncpa.u1 $0x0;
	s5 =	smul.u32 $0x190, s5;
	s9 =	simm.s32 @!p0 $0x0  }
0xb: {  	s8 =	sadd.s32 $0x4E200, s8;
	[sflag:s10] =	ssyncpa.u1 $0x0;
	s7 =	sadd.s32 s9, s7  }
0xc: {  	vm0 =	vmmov $0xffff;
	s10 =	simm.s32 $0x0;
	s11 =	smov.u32 s5;
	s9 =	sadd.s32 $0x1, s7  }
.LBB2_4:
0xd: {  	v2 =	vnsel vm1, $0x0, v2  }
0xe: {  	vm1 =	vgt.s32 v0, $0x0;
	v2 =	vmin.u32 v2, $0x4E1F  }
0xf: {  	v0 =	vnsel vm1, $0x0, v0  }
0x10: {  	v0 =	vmin.u32 v0, $0x4E1F  }
0x11: {  	[tilespmem:s18], [sflag:$0x1] =	stream.indirect_vreg.gather [hbm4b:s2+s10], $0x1, v1, vm0, $0x4038;
	[tilespmem:$0x640] =	vst v63  }
0x12: {  	(ifvalue) =	ssetifvalue $0x7FFFFFFF  }
0x13: {  	[tilespmem:s15], [sflag:$0x1] =	stream.indirect_vreg.gather [hbm4b:s2+s10], $0x1, v2, vm0, $0x4038;
	[tilespmem:$0x640] =	vst v63  }
0x14: {  	s29 =	sadd.s32 $0x10, s15;
	(ifvalue) =	ssetifvalue $0x7FFFFFFF  }
0x15: {  	[tilespmem:s29], [sflag:$0x1] =	stream.indirect_vreg.gather [hbm4b:s2+s10], $0x1, v0, vm0, $0x4038;
	[tilespmem:$0x640] =	vst v63  }
0x16: {  	_ =	swait.ge [sflag:s4], $0x190  }
0x17: {  	s30 =	sshrl.u32 s13, $0x3;
	[sflag:s4] =	ssyncset.done $0x0  }
0x18: {  	s31 =	sand.u32 $0x7, s13;
	s15 =	sadd.s32 s8, s30;
	[sflag:s4] =	ssyncadd.s32 $0xFFFFFE70  }
0x19: {  	[hbm4b:s15+s31] =	stream.linear.scatter [tilespmem:s14], [sflag:$0x3], $0x190, $0x38;
	[tilespmem:$0x640] =	vst v63  }
.LBB2_5:
0x1a: {  	s15 =	sadd.s32 $0x3200, s11  }
0x1b: {  	p1 =	sgt.s32 s15, $0x4E1F  }
0x1c: {  	s15 =	smov.u32 @p1 s5;
	p1 =	sne.s32 s12, s9  }
.Ltmp1:
0x1d: {  	p0 =	slt.u32 s12, $0x2;
	(pc) =	sbr.rel @!p1 .LBB2_6-.Ltmp1, $4  }
0x1e: {  	s14 =	simm.s32 @!p0 $0x3  }
0x1f: {  	_ =	swait.ge @!p0 [sflag:s14], $0x190  }
0x20: {  	s16 =	sadd.s32 $0x1, s12;
	s13 =	smov.u32 s11;
	[sflag:s14] =	ssyncset.done @!p0 $0x0  }
0x21: {  	s12 =	smov.u32 s16;
	s11 =	smov.u32 s15;
	[sflag:s14] =	ssyncadd.s32 @!p0 $0xFFFFFE70  }
.LBB2_1:
0x22: {  	p0 =	sge.u32 s12, s7  }
0x23: {  	s14 =	sxor.u32 @!p0 $0x1, s12  }
0x24: {  	s14 =	smul.u32 @!p0 $0x640, s14  }
0x25: {  	s31 =	sadd.s32 $0xFFFFFFFF, s12;
	s15 =	sshrl.u32 @!p0 s11, $0x3  }
0x26: {  	s16 =	sand.u32 @!p0 $0x7, s11;
	s15 =	sadd.s32 @!p0 s3, s15;
	s14 =	sshra.s32 @!p0 s14, $0x2  }
0x27: {  	[tilespmem:s14], [sflag:$0x2] =	stream.linear.gather @!p0 [hbm4b:s15+s16], $0x190, $0x38;
	[tilespmem:$0x640] =	vst v63  }
0x28: {  	p0 =	sge.u32 s31, s7  }
.Ltmp2:
0x29: {  	_ = 	snop;
	(pc) =	sbr.rel @p0 .LBB2_5-.Ltmp2, $1  }
0x2a: {  	_ =	sdelay $0x3  }
0x2b: {  	s14 =	sand.u32 $0x1, s12  }
0x2c: {  	_ =	swait.ge [sflag:s6], $0x190;
	p0 =	seq.s32 s14, $0x1;
	s14 =	simm.s32 $0x190  }
0x2d: {  	[sflag:s6] =	ssyncset.done $0x0;
	s14 =	simm.s32 @!p0 $0x0  }
0x2e: {  	[sflag:s6] =	ssyncadd.s32 $0xFFFFFE70;
	(ifvalue) =	ssetifvalue $0x7FFFFFFF;
	v0 =	vld.msk [tilespmem:s14+$0x0 ss:$0x1], $0xffff;
	_ =	sdelay $0x4  }
0x2f: {  	s15 =	sadd.s32 $0x10, s14;
	vm1 =	vgt.s32 v0, $0x0  }
0x30: {  	v2 =	vld.msk [tilespmem:s15+$0x0 ss:$0x1], $0xffff;
	v1 =	vnsel vm1, $0x0, v0  }
0x31: {  	v1 =	vmin.u32 v1, $0x4E1F;
	_ =	sdelay $0x2  }
0x32: {  	s17 =	simm.s32 $0x20;
	s14 =	sadd.s32 $0x320, s14;
	s16 =	sadd.s32 $0x10, s15  }
0x33: {  	s15 =	sadd.s32 $0x10, s14;
	s18 =	smov.u32 s14;
	v0 =	vld.msk [tilespmem:s16+$0x0 ss:$0x1], $0xffff;
	vm1 =	vgt.s32 v2, $0x0;
	(ifvalue) =	ssetifvalue $0x7FFFFFFF  }
.LBB2_3:
0x34: {  	[tilespmem:s18], [sflag:$0x1] =	stream.indirect_vreg.gather [hbm4b:s2+s10], $0x1, v1, vm0, $0x4038;
	[tilespmem:$0x640] =	vst v63  }
0x35: {  	s17 =	sadd.s32 $0x10, s17  }
0x36: {  	v2 =	vnsel vm1, $0x0, v2;
	p0 =	slt.u32 s17, $0x180  }
.Ltmp3:
0x37: {  	s18 =	smov.u32 s15;
	v1 =	vmin.u32 v2, $0x4E1F;
	(pc) =	sbr.rel @p0 .LBB2_3-.Ltmp3, $3  }
0x38: {  	_ =	sdelay $0x1  }
0x39: {  	s16 =	sadd.s32 $0x10, s16  }
0x3a: {  	vm1 =	vgt.s32 v0, $0x0;
	s15 =	sadd.s32 $0x10, s15;
	v2 =	vmov v0;
	(ifvalue) =	ssetifvalue $0x7FFFFFFF;
	v0 =	vld.msk [tilespmem:s16+$0x0 ss:$0x1], $0xffff  }
.Ltmp4:
0x3b: {  	_ = 	snop;
	(pc) =	sbr.rel .LBB2_4-.Ltmp4, $1  }
0x3c: {  	_ =	sdelay $0x3  }
.LBB2_6:
0x3d: {  	_ =	sfence.sel $0x180000  }
0x3e: {  	s2 =	simm.s32 $0x2;
	[bflag:$0x0] =	sbarrier.arrive $0xFFFF  }
0x3f: {  	s30 =	simm.s32 $0x3;
	[sflag:s2] =	ssyncpa.u1 $0x1  }
0x40: {  	s31 =	simm.s32 $0x1;
	[sflag:s30] =	ssyncpa.u1 $0x1  }
0x41: {  	[sflag:s31] =	ssyncpa.u1 $0x1  }
0x42: {  	p0 =	sne.s32 s1, $0x0;
	_ =	strace $0x90000047  }
0x43: {  	s0 =	sadd.s32 @!p0 $0x100000, s0;
	[bflag:$0x2] =	sbarrier.arrive $0xFFFF  }
0x44: {  	[sflag:s0] =	ssyncadd.tile.s32 @!p0 $0x1;
	_ =	shalt  }
.Lfunc_end2:
_tile_overlayer_lowered:
.L_overlay_start_2:
0x45: {  	(tag) =	ssettag $0x2  }
0x46: {  	s0 =	rddreg [dreg:$0x0];
	s2 =	stileid.u32  }
0x47: {  	s1 =	rddreg [dreg:$0x1];
	p0 =	sne.s32 s2, $0x0  }
0x48: {  	s3 =	rddreg [dreg:$0x2];
	[bflag:$0x3] =	sbarrier.arrive $0xFFFF;
	s2 =	simm.s32 @!p0 $0x1C01  }
0x49: {  	[timem:s3], [sflag:s2] =	dma.local @!p0 [hbm:s0], s1  }
0x4a: {  	s0 =	simm.s32 @!p0 $0x1  }
0x4b: {  	_ =	swait.ge @!p0 [sflag:s0], s1  }
0x4c: {  	s1 =	ssub.s32 @!p0 $0x0, s1;
	[sflag:s0] =	ssyncset.done @!p0 $0x0  }
0x4d: {  	[sflag:s0] =	ssyncadd.s32 @!p0 s1  }
0x4e: {  	[bflag:$0x3] =	sbarrier.arrive $0xFFFF  }
0x4f: {  	_ =	shalt  }

// kernel: gather_offload_async_start
scs
__scs_entry_jumppad:
0x0: {  	(pc) =	sbr.rel $0x88, $3  }
0x1: {  	(tag) =	ssettag $0x0;
	lr =	simm.s32 $0x1  }
0x2: {  	[smem:$0x3F9E] =	sst lr;
	_ =	strace $0xD0000000  }
0x3: {  	_ = 	snop  }
0x4: {  	_ = 	snop  }
0x5: {  	_ = 	snop  }
0x6: {  	_ = 	snop  }
0x7: {  	_ = 	snop  }
__scs_overlays_trampoline_lowered:
0x8: {  	[smem:$0x3FAD] =	sst s0  }
0x9: {  	[smem:$0x3FAE] =	sst s1  }
0xa: {  	[smem:$0x3FAF] =	sst s2  }
0xb: {  	[smem:$0x3FB0] =	sst s3  }
0xc: {  	[smem:$0x3FB1] =	sst s4  }
0xd: {  	[smem:$0x3FB2] =	sst s5  }
0xe: {  	[smem:$0x3FB3] =	sst s6  }
0xf: {  	[smem:$0x3FB4] =	sst s7  }
0x10: {  	[smem:$0x3FB5] =	sst s8  }
0x11: {  	[smem:$0x3FB6] =	sst s9;
	s0 =	simm.s32 @!p0 $0x0  }
0x12: {  	s1 =	sld [smem:$0x3F9C];
	s0 =	simm.s32 @p0 $0x1  }
0x13: {  	[smem:$0x3FB7] =	sst s0;
	s0 =	simm.s32 @!p1 $0x0  }
0x14: {  	s2 =	sld [smem:$0x3F9B];
	s0 =	simm.s32 @p1 $0x1  }
0x15: {  	[smem:$0x3FB8] =	sst s0;
	s0 =	simm.s32 @!p2 $0x0  }
0x16: {  	s3 =	sld [smem:$0x3FDB];
	s0 =	simm.s32 @p2 $0x1  }
0x17: {  	s4 =	simm.s32 $0x1BF5;
	[smem:$0x3FBA] =	sst s0  }
0x18: {  	s0 =	sld [smem:$0x3F9D];
	_ =	swait.ge [sflag:s4], $0x0  }
0x19: {  	s7 =	sld [smem:$0x3F9E]  }
0x1a: {  	s8 =	sadd.s32 $0xFFFFE003, lr  }
0x1b: {  	s9 =	sadd.s32 $0xFFFFFEF7, lr;
	s5 =	simm.s32 $0xFFFFFFFF;
	p2 =	slt.u32 s8, $0xFFFFF086  }
0x1c: {  	p1 =	slt.u32 s9, $0xF7A;
	s5 =	simm.s32 @!p2 $0x0  }
0x1d: {  	s5 =	simm.s32 @p1 $0x1;
	p0 =	seq.s32 s7, s2  }
0x1e: {  	s7 =	smul.u32 @!p0 $0xF7A, s2;
	p2 =	seq.s32 @!p0 s5, $0x0  }
0x1f: {  	s9 =	smul.u32 $0xF7A, s1;
	s8 =	simm.s32 @!p0 $0x1BF5;
	p2 =	por !p2, p0  }
0x20: {  	[sflag:s8] =	ssyncset.s32 @!p0 $0xFFFFF086;
	s6 =	sadd.s32 @!p0 s3, s7;
	s7 =	simm.s32 @!p0 $0x108  }
0x21: {  	s3 =	sadd.s32 s3, s9;
	s6 =	sadd.s32 @!p0 $0x88, s6;
	s7 =	simm.s32 @p2 $0x1082  }
0x22: {  	[simem:s7], [sflag:s8] =	dma.local @!p0 [hbm:s6], $0xF7A  }
0x23: {  	s9 =	sor.u32 $0xD0000000, s2;
	s6 =	simm.s32 $0x108;
	_ =	swait.ge @!p0 [sflag:s8], $0x0  }
0x24: {  	s3 =	sadd.s32 $0x88, s3;
	s6 =	simm.s32 @!p1 $0x1082;
	[sflag:s4] =	ssyncset.s32 $0xFFFFF086  }
0x25: {  	[simem:s6], [sflag:s4] =	dma.local [hbm:s3], $0xF7A  }
0x26: {  	[smem:$0x3F9E] =	sst s1;
	(tag) =	ssettag s2;
	_ =	strace s9  }
0x27: {  	s1 =	sld [smem:$0x3FAE]  }
0x28: {  	s2 =	sld [smem:$0x3FAF]  }
0x29: {  	s4 =	sld [smem:$0x3FB1]  }
0x2a: {  	p0 =	seq.s32 s5, $0x0;
	s5 =	sld [smem:$0x3FB2]  }
0x2b: {  	s6 =	sld [smem:$0x3FB3]  }
0x2c: {  	s7 =	sld [smem:$0x3FB4]  }
0x2d: {  	s3 =	simm.s32 $0x108;
	s8 =	sld [smem:$0x3FB5]  }
0x2e: {  	s3 =	simm.s32 @!p0 $0x1082;
	s9 =	sld [smem:$0x3FB6]  }
0x2f: {  	lr =	sadd.s32 s0, s3;
	s0 =	sld [smem:$0x3FAD]  }
0x30: {  	s3 =	sld [smem:$0x3FB0]  }
0x31: {  	[smem:$0x3FB9] =	sst s10  }
0x32: {  	s10 =	sld [smem:$0x3FB7];
	_ =	sdelay $0x3  }
0x33: {  	p0 =	seq.s32 s10, $0x1;
	s10 =	sld [smem:$0x3FB9];
	_ =	sdelay $0x3  }
0x34: {  	[smem:$0x3FB9] =	sst s10  }
0x35: {  	s10 =	sld [smem:$0x3FB8];
	_ =	sdelay $0x3  }
0x36: {  	p1 =	seq.s32 s10, $0x1;
	s10 =	sld [smem:$0x3FB9];
	_ =	sdelay $0x3  }
0x37: {  	[smem:$0x3FB9] =	sst s10  }
0x38: {  	s10 =	sld [smem:$0x3FBA]  }
0x39: {  	_ = 	snop;
	(pc) =	sbr.ind lr, $3  }
0x3a: {  	_ = 	snop  }
0x3b: {  	_ = 	snop  }
0x3c: {  	p2 =	seq.s32 s10, $0x1;
	s10 =	sld [smem:$0x3FB9]  }
0x3d: {  	_ =	shalt  }
0x3e: {  	_ =	shalt  }
0x3f: {  	_ =	shalt  }
0x40: {  	_ =	shalt  }
0x41: {  	_ =	shalt  }
0x42: {  	_ =	shalt  }
0x43: {  	_ =	shalt  }
0x44: {  	_ =	shalt  }
0x45: {  	_ =	shalt  }
0x46: {  	_ =	shalt  }
0x47: {  	_ =	shalt  }
0x48: {  	_ =	shalt  }
0x49: {  	_ =	shalt  }
0x4a: {  	_ =	shalt  }
0x4b: {  	_ =	shalt  }
0x4c: {  	_ =	shalt  }
0x4d: {  	_ =	shalt  }
0x4e: {  	_ =	shalt  }
0x4f: {  	_ =	shalt  }
0x50: {  	_ =	shalt  }
0x51: {  	_ =	shalt  }
0x52: {  	_ =	shalt  }
0x53: {  	_ =	shalt  }
0x54: {  	_ =	shalt  }
0x55: {  	_ =	shalt  }
0x56: {  	_ =	shalt  }
0x57: {  	_ =	shalt  }
0x58: {  	_ =	shalt  }
0x59: {  	_ =	shalt  }
0x5a: {  	_ =	shalt  }
0x5b: {  	_ =	shalt  }
0x5c: {  	_ =	shalt  }
0x5d: {  	_ =	shalt  }
0x5e: {  	_ =	shalt  }
0x5f: {  	_ =	shalt  }
0x60: {  	_ =	shalt  }
0x61: {  	_ =	shalt  }
0x62: {  	_ =	shalt  }
0x63: {  	_ =	shalt  }
0x64: {  	_ =	shalt  }
0x65: {  	_ =	shalt  }
0x66: {  	_ =	shalt  }
0x67: {  	_ =	shalt  }
0x68: {  	_ =	shalt  }
0x69: {  	_ =	shalt  }
0x6a: {  	_ =	shalt  }
0x6b: {  	_ =	shalt  }
0x6c: {  	_ =	shalt  }
0x6d: {  	_ =	shalt  }
0x6e: {  	_ =	shalt  }
0x6f: {  	_ =	shalt  }
0x70: {  	_ =	shalt  }
0x71: {  	_ =	shalt  }
0x72: {  	_ =	shalt  }
0x73: {  	_ =	shalt  }
0x74: {  	_ =	shalt  }
0x75: {  	_ =	shalt  }
0x76: {  	_ =	shalt  }
0x77: {  	_ =	shalt  }
0x78: {  	_ =	shalt  }
0x79: {  	_ =	shalt  }
0x7a: {  	_ =	shalt  }
0x7b: {  	_ =	shalt  }
0x7c: {  	_ =	shalt  }
0x7d: {  	_ =	shalt  }
0x7e: {  	_ =	shalt  }
0x7f: {  	_ =	shalt  }
0x80: {  	_ =	shalt  }
0x81: {  	_ =	shalt  }
0x82: {  	_ =	shalt  }
0x83: {  	_ =	shalt  }
0x84: {  	_ =	shalt  }
0x85: {  	_ =	shalt  }
0x86: {  	_ =	shalt  }
0x87: {  	_ =	shalt  }
.Lfunc_end0:
.L_simem_size_0:
called_computation_lowered:
.L_overlay_start_0:
0x88: {  	s2 =	sld [smem:$0x3FD9]  }
0x89: {  	s3 =	sld [smem:$0x3FFE];
	_ =	sdelay $0x1  }
0x8a: {  	s1 =	srdreg.scid  }
0x8b: {  	s0 =	sand.u32 $0x1, s1  }
0x8c: {  	s17 =	sshll.u32 s0, $0xA;
	s2 =	sadd.s32 s3, s2  }
0x8d: {  	s2 =	sadd.s32 s2, s17  }
0x8e: {  	[smem:$0x3FC5] =	sst s2  }
0x8f: {  	_ = 	snop  }
0x90: {  	s2 =	sld [smem:$0x3FD0];
	(tm) =	ssettm $0x1  }
0x91: {  	s18 =	sld [smem:$0x3FFB];
	_ =	sdelay $0x3  }
0x92: {  	_ =	strace s18  }
0x93: {  	s3 =	sld [smem:$0x3FFC];
	_ =	sdelay $0x3  }
0x94: {  	_ =	strace s3  }
0x95: {  	s3 =	sld [smem:$0x3FFD];
	_ =	sdelay $0x3  }
0x96: {  	_ =	strace s3  }
0x97: {  	_ =	strace $0x8FFFFFFF  }
0x98: {  	s19 =	sld [smem:$0x3FDB];
	_ =	sdelay $0x1  }
0x99: {  	s4 =	simm.s32 $_scs_section_size  }
0x9a: {  	s5 =	simm.s32 $_size__tile_overlayer_lowered;
	s6 =	simm.s32 $_tile_overlayer_lowered  }
0x9b: {  	s22 =	simm.s32 $0x1BFF;
	s21 =	sshll.u32 s6, $0x1;
	s3 =	sadd.s32 s4, s19  }
0x9c: {  	s7 =	simm.s32 $0x0;
	s20 =	sshll.u32 s5, $0x1;
	s5 =	sadd.s32 s21, s3  }
0x9d: {  	[timem:s7], [sflag:s22] =	dma.local [hbm:s5], s20  }
0x9e: {  	_ =	swait.ge [sflag:s22], s20  }
0x9f: {  	s4 =	ssub.s32 $0x0, s20;
	[sflag:s22] =	ssyncset.done $0x0  }
0xa0: {  	[sflag:s22] =	ssyncadd.s32 s4;
	_ =	sdelay $0x1  }
0xa1: {  	s23 =	simm.s32 $0x1B8B  }
0xa2: {  	_ =	swait.ge [sflag:s23], $0x1  }
0xa3: {  	[sflag:s23] =	ssyncset.done $0x0  }
0xa4: {  	s25 =	simm.s32 $0x1B8E;
	s24 =	sld [smem:$0x3FFE];
	[sflag:s23] =	ssyncadd.s32 $0xFFFFFFFF  }
0xa5: {  	s26 =	simm.s32 $execute0_lowered;
	[smem:$0x3FD2] =	sst s25  }
0xa6: {  	s5 =	sshll.u32 s26, $0x1;
	_ =	strace $0x8000004C;
	[dreg:$0x1] =	wrdreg $0xFFFFFFFF  }
0xa7: {  	s28 =	simm.s32 $_size_execute0_lowered;
	s3 =	sadd.s32 s3, s5;
	[dreg:$0x0] =	wrdreg $0x0  }
0xa8: {  	s5 =	sshll.u32 s28, $0x1;
	[dreg:$0x2] =	wrdreg s3  }
0xa9: {  	[dreg:$0x3] =	wrdreg s5  }
0xaa: {  	[dreg:$0x4] =	wrdreg $0xC0  }
0xab: {  	_ =	task [dreg:s7], $0x5FFFF  }
0xac: {  	[dreg:$0x1] =	wrdreg $0xFFFFFFFF  }
0xad: {  	[dreg:$0x0] =	wrdreg $0x60  }
0xae: {  	[dreg:$0x2] =	wrdreg s24  }
0xaf: {  	[dreg:$0x3] =	wrdreg s2  }
0xb0: {  	[dreg:$0x4] =	wrdreg $0x9  }
0xb1: {  	_ =	task.clear_ibuf [dreg:s7], $0x5FFFF;
	_ =	strace $0x9000004C  }
0xb2: {  	s29 =	simm.s32 $0x9;
	_ =	strace $0x8000004E  }
0xb3: {  	_ =	swait.ge [sflag:s29], $0x1  }
0xb4: {  	[sflag:s29] =	ssyncadd.s32 $0xFFFFFFFF  }
0xb5: {  	_ =	strace $0x9000004E  }
0xb6: {  	_ =	sfence  }
0xb7: {  	s30 =	sld [smem:$0x0];
	_ =	sdelay $0x2  }
0xb8: {  	s31 =	sshll.u32 s1, $0xD;
	s1 =	sshrl.u32 s1, $0x2  }
0xb9: {  	s3 =	sand.u32 $0x4000, s31;
	s1 =	sadd.s32 s1, s30  }
0xba: {  	s0 =	sor.u32 s3, s0;
	s1 =	sshll.u32 s1, $0x11  }
0xbb: {  	s0 =	sor.u32 s1, s0  }
0xbc: {  	s0 =	sadd.s32 $0x8F2B, s0  }
0xbd: {  	[sflag:s0] =	ssyncadd.remote.s32 $0x1  }
0xbe: {  	_ =	sfence.sel $0xFFFF  }
0xbf: {  	[dreg:$0x0] =	wrdreg $0xFFFFFFFF;
	(pc) =	sbr.abs _section_cstart, $3  }
0xc0: {  	[dreg:$0x1] =	wrdreg $0xFFFFFFFF  }
0xc1: {  	_ =	task.clear_ibuf [dreg:s7], $0x2FFFF;
	_ =	strace $0x9FFFFFFF  }
0xc2: {  	(tm) =	ssettm $0x7FFFFFFF  }
0xc3: {  	_ =	shalt  }
tec
execute0_lowered:
.L_overlay_start_1:
0x0: {  	(tag) =	ssettag $0x1  }
0x1: {  	s0 =	srdreg.scid  }
0x2: {  	s1 =	sshll.u32 s0, $0x4  }
0x3: {  	s0 =	stileid.u32;
	s1 =	sand.u32 $0x10, s1  }
0x4: {  	s2 =	sor.u32 s0, s1  }
0x5: {  	s1 =	smin.u32 s2, $0x12  }
0x6: {  	s1 =	sadd.s32 s2, s1  }
0x7: {  	p0 =	slt.u32 s2, $0x12;
	s2 =	simm.s32 $0x320;
	s1 =	smul.u32 $0x190, s1  }
0x8: {  	s2 =	simm.s32 @!p0 $0x190  }
0x9: {  	s2 =	sadd.s32 s2, s1  }
0xa: {  	s3 =	smin.u32 s2, $0x4E20  }
0xb: {  	s7 =	ssub.s32 s3, s1  }
0xc: {  	p0 =	sgt.s32 s7, $0x0  }
0xd: {  	s7 =	simm.s32 @!p0 $0x0  }
0xe: {  	s31 =	sand.u32 $0xFFF0, s7  }
0xf: {  	s2 =	sshrl.u32 s31, $0x4  }
0x10: {  	s4 =	rddreg [dreg:$0x0];
	s2 =	smul.u32 $0xA3E, s2  }
0x11: {  	s5 =	rddreg [dreg:$0x1]  }
0x12: {  	s6 =	simm.s32 $0x1;
	s10 =	simm.s32 $0x3;
	s8 =	sshrl.u32 s2, $0x10  }
0x13: {  	s13 =	simm.s32 $0x0;
	s12 =	simm.s32 $0x0;
	s9 =	smul.u32 $0x190, s8  }
.Ltmp0:
0x14: {  	s11 =	smov.u32 s1;
	s2 =	rddreg [dreg:$0x2];
	(pc) =	sbr.rel .LBB2_1-.Ltmp0, $4  }
0x15: {  	_ =	strace $0x8000004D;
	p0 =	sne.s32 s7, s9;
	s9 =	simm.s32 $0x1  }
0x16: {  	[sflag:s6] =	ssyncpa.u1 $0x0;
	s7 =	simm.s32 $0x2;
	s9 =	simm.s32 @!p0 $0x0  }
0x17: {  	[sflag:s7] =	ssyncpa.u1 $0x0;
	p0 =	por $0x0, $0x0;
	s8 =	sadd.s32 s8, s9  }
0x18: {  	vm0 =	vmmov $0xff;
	vm1 =	vcmask $0x3F20;
	s9 =	sadd.s32 $0x9CE00, s4;
	[sflag:s10] =	ssyncpa.u1 $0x0;
	s10 =	sadd.s32 $0x1, s8  }
.LBB2_6:
0x19: {  	[hbm:s17] =	stream.linear.scatter [tilespmem:s14], [sflag:$0x3], $0x400, $0x38;
	[tilespmem:$0x19320] =	vst v63  }
.LBB2_7:
0x1a: {  	s13 =	sadd.s32 $0x190, s11  }
0x1b: {  	s15 =	smov.u32 s1;
	p2 =	slt.s32 s13, s3  }
0x1c: {  	s15 =	smov.u32 @p2 s13;
	p2 =	sne.s32 s12, s10  }
.Ltmp1:
0x1d: {  	p1 =	slt.u32 s12, $0x2;
	(pc) =	sbr.rel @!p2 .LBB2_8-.Ltmp1, $4  }
0x1e: {  	s14 =	simm.s32 @!p1 $0x3  }
0x1f: {  	s16 =	sadd.s32 $0x1, s12;
	_ =	swait.ge @!p1 [sflag:s14], $0xC800  }
0x20: {  	p0 =	por !p0, !p0;
	s13 =	smov.u32 s11;
	[sflag:s14] =	ssyncset.done @!p1 $0x0  }
0x21: {  	s12 =	smov.u32 s16;
	s11 =	smov.u32 s15;
	[sflag:s14] =	ssyncadd.s32 @!p1 $0xFFFF3800  }
.LBB2_1:
0x22: {  	p1 =	sge.u32 s12, s8  }
0x23: {  	s14 =	sxor.u32 @!p1 $0xFFFFFFFF, s12  }
0x24: {  	s14 =	sand.u32 @!p1 $0x1, s14  }
0x25: {  	s14 =	smul.u32 @!p1 $0x640, s14  }
0x26: {  	s31 =	sadd.s32 $0xFFFFFFFF, s12;
	s15 =	sshrl.u32 @!p1 s11, $0x3  }
0x27: {  	s16 =	sand.u32 @!p1 $0x7, s11;
	s15 =	sadd.s32 @!p1 s5, s15;
	s14 =	sshrl.u32 @!p1 s14, $0x2  }
0x28: {  	[tilespmem:s14], [sflag:$0x2] =	stream.linear.gather @!p1 [hbm4b:s15+s16], $0x190, $0x38;
	[tilespmem:$0x19320] =	vst v63  }
0x29: {  	p1 =	sge.u32 s31, s8  }
.Ltmp2:
0x2a: {  	_ = 	snop;
	(pc) =	sbr.rel @p1 .LBB2_7-.Ltmp2, $1  }
0x2b: {  	_ =	sdelay $0x3  }
0x2c: {  	s14 =	simm.s32 $0x1  }
0x2d: {  	s14 =	simm.s32 @!p0 $0x0  }
0x2e: {  	s15 =	smul.u32 $0x640, s14  }
0x2f: {  	_ =	swait.ge [sflag:s7], $0x190  }
0x30: {  	[sflag:s7] =	ssyncset.done $0x0;
	s16 =	sshrl.u32 s15, $0x2  }
0x31: {  	[sflag:s7] =	ssyncadd.s32 $0xFFFFFE70;
	s15 =	sadd.s32 $0x0, s16  }
0x32: {  	v0 =	vld.msk [tilespmem:s15+$0x0 ss:$0x1], $0xffff;
	_ =	sdelay $0x4  }
0x33: {  	vm2 =	vgt.s32 v0, $0x0  }
0x34: {  	v0 =	vnsel vm2, $0x0, v0  }
0x35: {  	v0 =	vmin.u32 v0, $0x4E1F  }
0x36: {  	v0 =	vshll.u32 v0, $0x4  }
0x37: {  	s14 =	smul.u32 $0x32000, s14;
	_ =	sdelay $0x1  }
0x38: {  	s14 =	sshrl.u32 s14, $0x2  }
0x39: {  	s14 =	sor.u32 $0x320, s14  }
0x3a: {  	[tilespmem:s14], [sflag:$0x1] =	stream.indirect_vreg.gather [hbm:s9], $0x80, v0, vm0, $0x38;
	[tilespmem:$0x19320] =	vst v63  }
0x3b: {  	s17 =	sadd.s32 $0x10, s16;
	s15 =	sadd.s32 $0x400, s14  }
0x3c: {  	[tilespmem:s15], [sflag:$0x1] =	stream.indirect_vreg.gather [hbm:s9], $0x80, v0, vm1, $0x38;
	[tilespmem:$0x19320] =	vst v63  }
0x3d: {  	s18 =	simm.s32 $0x80;
	v0 =	vld.msk [tilespmem:s17+$0x0 ss:$0x1], $0xffff;
	s17 =	smov.u32 s14  }
.LBB2_3:
0x3e: {  	p1 =	sne.s32 s18, $0x600;
	_ =	sdelay $0x4  }
0x3f: {  	vm2 =	vgt.s32 v0, $0x0  }
0x40: {  	v0 =	vnsel vm2, $0x0, v0  }
0x41: {  	v0 =	vmin.u32 v0, $0x4E1F  }
0x42: {  	v0 =	vshll.u32 v0, $0x4;
	_ =	sdelay $0x3  }
.Ltmp3:
0x43: {  	s19 =	sshra.s32 s18, $0x2;
	s17 =	sadd.s32 $0x800, s17;
	(pc) =	sbr.rel @p1 .LBB2_3-.Ltmp3, $4  }
0x44: {  	[tilespmem:s17], [sflag:$0x1] =	stream.indirect_vreg.gather [hbm:s9], $0x80, v0, vm0, $0x38;
	[tilespmem:$0x19320] =	vst v63  }
0x45: {  	s19 =	sadd.s32 s19, s16;
	s20 =	sadd.s32 $0x400, s17  }
0x46: {  	[tilespmem:s20], [sflag:$0x1] =	stream.indirect_vreg.gather [hbm:s9], $0x80, v0, vm1, $0x38;
	[tilespmem:$0x19320] =	vst v63  }
0x47: {  	s18 =	sadd.s32 $0x40, s18;
	v0 =	vld.msk [tilespmem:s19+$0x0 ss:$0x1], $0xffff  }
0x48: {  	_ =	sdelay $0x3  }
0x49: {  	vm2 =	vgt.s32 v0, $0x0  }
0x4a: {  	v0 =	vnsel vm2, $0x0, v0  }
0x4b: {  	v0 =	vmin.u32 v0, $0x4E1F  }
0x4c: {  	v0 =	vshll.u32 v0, $0x4;
	_ =	sdelay $0x3  }
0x4d: {  	s16 =	sadd.s32 $0x800, s17  }
0x4e: {  	[tilespmem:s16], [sflag:$0x1] =	stream.indirect_vreg.gather [hbm:s9], $0x80, v0, vm0, $0x38;
	[tilespmem:$0x19320] =	vst v63  }
0x4f: {  	s16 =	sadd.s32 $0x400, s16  }
0x50: {  	[tilespmem:s16], [sflag:$0x1] =	stream.indirect_vreg.gather [hbm:s9], $0x80, v0, vm1, $0x38;
	[tilespmem:$0x19320] =	vst v63  }
0x51: {  	s13 =	sshll.u32 s13, $0x4;
	_ =	swait.ge [sflag:s6], $0xC800  }
0x52: {  	s13 =	sadd.s32 s13, s4;
	[sflag:s6] =	ssyncset.done $0x0  }
0x53: {  	s17 =	sadd.s32 $0x0, s13;
	s16 =	simm.s32 $0x80;
	[sflag:s6] =	ssyncadd.s32 $0xFFFF3800  }
.LBB2_5:
0x54: {  	[hbm:s17] =	stream.linear.scatter [tilespmem:s14], [sflag:$0x3], $0x400, $0x38;
	[tilespmem:$0x19320] =	vst v63  }
0x55: {  	s17 =	smov.u32 s16;
	s14 =	smov.u32 s15;
	p1 =	sne.s32 s16, $0x1880  }
.Ltmp4:
0x56: {  	s16 =	sadd.s32 $0x80, s16;
	(pc) =	sbr.rel @p1 .LBB2_5-.Ltmp4, $2  }
0x57: {  	_ =	sdelay $0x2  }
0x58: {  	s15 =	sadd.s32 $0x400, s15;
	s17 =	sadd.s32 s17, s13  }
.Ltmp5:
0x59: {  	_ = 	snop;
	(pc) =	sbr.rel .LBB2_6-.Ltmp5, $1  }
0x5a: {  	_ =	sdelay $0x3  }
.LBB2_8:
0x5b: {  	_ =	sfence.sel $0x180000  }
0x5c: {  	s1 =	simm.s32 $0x2;
	[bflag:$0x0] =	sbarrier.arrive $0xFFFF  }
0x5d: {  	s30 =	simm.s32 $0x3;
	[sflag:s1] =	ssyncpa.u1 $0x1  }
0x5e: {  	s31 =	simm.s32 $0x1;
	[sflag:s30] =	ssyncpa.u1 $0x1  }
0x5f: {  	[sflag:s31] =	ssyncpa.u1 $0x1  }
0x60: {  	p0 =	sne.s32 s0, $0x0;
	_ =	strace $0x9000004D  }
0x61: {  	s0 =	sadd.s32 @!p0 $0x100000, s2;
	[bflag:$0x2] =	sbarrier.arrive $0xFFFF  }
0x62: {  	[sflag:s0] =	ssyncadd.tile.s32 @!p0 $0x1;
	_ =	shalt  }
.Lfunc_end2:
_tile_overlayer_lowered:
.L_overlay_start_2:
0x63: {  	(tag) =	ssettag $0x2  }
0x64: {  	s0 =	rddreg [dreg:$0x0];
	s2 =	stileid.u32  }
0x65: {  	s1 =	rddreg [dreg:$0x1];
	p0 =	sne.s32 s2, $0x0  }
0x66: {  	s3 =	rddreg [dreg:$0x2];
	[bflag:$0x3] =	sbarrier.arrive $0xFFFF;
	s2 =	simm.s32 @!p0 $0x1C01  }
0x67: {  	[timem:s3], [sflag:s2] =	dma.local @!p0 [hbm:s0], s1  }
0x68: {  	s0 =	simm.s32 @!p0 $0x1  }
0x69: {  	_ =	swait.ge @!p0 [sflag:s0], s1  }
0x6a: {  	s1 =	ssub.s32 @!p0 $0x0, s1;
	[sflag:s0] =	ssyncset.done @!p0 $0x0  }
0x6b: {  	[sflag:s0] =	ssyncadd.s32 @!p0 s1  }
0x6c: {  	[bflag:$0x3] =	sbarrier.arrive $0xFFFF  }
0x6d: {  	_ =	shalt  }

</sc_bundles>
